<compile_context>
chip_gen: v7x
topology: tpu7x:2x2x1
jax: 0.10.2.dev20260603
libtpu: 0.0.44.dev20260713+nightly
codegen_flags: <defaults>
</compile_context>

<pallas_src>
import functools

import jax
import jax.numpy as jnp
from jax import lax
from jax.experimental import pallas as pl
from jax.experimental.pallas import tpu as pltpu
from jax.experimental.pallas import tpu_sc as plsc

_B = 16384
_L = 16


def _make_sc_kernel():
    info = plsc.get_sparse_core_info()
    nc, ns = info.num_cores, info.num_subcores
    nw = nc * ns
    chunk = _B // nw
    nv = chunk // _L

    mesh = plsc.VectorSubcoreMesh(core_axis_name="c", subcore_axis_name="s")

    @functools.partial(
        pl.kernel,
        mesh=mesh,
        out_type=jax.ShapeDtypeStruct((_B,), jnp.float32),
        scratch_types=[
            pltpu.VMEM((chunk,), jnp.float32),
            pltpu.VMEM((chunk,), jnp.float32),
            pltpu.VMEM((chunk,), jnp.float32),
            pltpu.VMEM((_L,), jnp.float32),
            pltpu.VMEM((_L,), jnp.float32),
            pltpu.VMEM((_L,), jnp.float32),
            pltpu.SemaphoreType.DMA,
            pltpu.SemaphoreType.DMA,
            pltpu.SemaphoreType.DMA,
        ],
    )
    def sc_kernel(g_hbm, label_hbm, a_hbm, b_hbm, c_hbm, out_hbm,
                  g_v, l_v, o_v, a_v, b_v, c_v, sem_g, sem_l, sem_p):
        wid = lax.axis_index("s") * nc + lax.axis_index("c")
        base = wid * chunk
        cp_g = pltpu.async_copy(g_hbm.at[pl.ds(base, chunk)], g_v, sem_g)
        cp_l = pltpu.async_copy(label_hbm.at[pl.ds(base, chunk)], l_v, sem_l)
        cp_a = pltpu.async_copy(a_hbm, a_v.at[pl.ds(0, 1)], sem_p)
        cp_b = pltpu.async_copy(b_hbm, b_v.at[pl.ds(0, 1)], sem_p)
        cp_c = pltpu.async_copy(c_hbm, c_v.at[pl.ds(0, 1)], sem_p)
        cp_a.wait()
        cp_b.wait()
        cp_c.wait()
        a = a_v[...][0]
        b = b_v[...][0]
        c = c_v[...][0]
        cp_g.wait()
        cp_l.wait()
        for i in range(nv):
            g = g_v[pl.ds(i * _L, _L)]
            lab = l_v[pl.ds(i * _L, _L)]
            o_v[pl.ds(i * _L, _L)] = a + b * g + c * (lab * g)
        pltpu.sync_copy(o_v, out_hbm.at[pl.ds(base, chunk)])

    return sc_kernel


_sc_kernel = _make_sc_kernel()


def kernel(user, item, g_s, label, alpha, beta, label_coef):
    return _sc_kernel(g_s, label, alpha, beta, label_coef)

# --- scband reference (transcript-rebuilt; emitter-appended) ---
"""Pipeline reference for scband-beta-model-42949673479 (READ-ONLY COPY).

The authoritative reference and input builder live on the scoring server;
editing this copy changes nothing except your own understanding.
"""

import jax, jax.numpy as jnp
import numpy as np


def setup_inputs(seed: int = 0) -> dict:
    key = jax.random.key(seed)
    k_user, k_item, k_gs, k_label = jax.random.split(key, 4)
    B = 16384
    VOCAB = 1000000
    user = jax.random.randint(k_user, (B,), 0, VOCAB, dtype=jnp.int64 if jax.config.jax_enable_x64 else jnp.int32)
    item = jax.random.randint(k_item, (B,), 0, VOCAB, dtype=jnp.int64 if jax.config.jax_enable_x64 else jnp.int32)
    g_s = jax.random.normal(k_gs, (B,), dtype=jnp.float32)
    label = jax.random.uniform(k_label, (B,), dtype=jnp.float32)
    # Learned parameters, initialized per the torch module
    alpha = jnp.zeros((1,), dtype=jnp.float32)
    beta = jnp.ones((1,), dtype=jnp.float32)
    label_coef = jnp.zeros((1,), dtype=jnp.float32)
    return {
        "user": user,
        "item": item,
        "g_s": g_s,
        "label": label,
        "alpha": alpha,
        "beta": beta,
        "label_coef": label_coef,
    }


def reference(user, item, g_s, label, alpha, beta, label_coef):
    # Faithful translation of BetaModel.forward:
    # score = alpha + beta * g_s + label_coef * label * g_s
    # (user/item embedding tables exist but are not used in forward)
    score = alpha + beta * g_s + label_coef * label * g_s
    return score

if __name__ == "__main__":
    import jax
    _d = setup_inputs()
    print(jax.jit(kernel)(*tuple(_d.values())))

</pallas_src>

<mosaic_0001>
#map = affine_map<(d0, d1) -> (0)>
module attributes {stable_mosaic.version = 14 : i64} {
  func.func @sc_kernel(%arg0: i32, %arg1: i32, %arg2: memref<16384xf32, #tpu.memory_space<hbm>>, %arg3: memref<16384xf32, #tpu.memory_space<hbm>>, %arg4: memref<1xf32, #tpu.memory_space<hbm>>, %arg5: memref<1xf32, #tpu.memory_space<hbm>>, %arg6: memref<1xf32, #tpu.memory_space<hbm>>, %arg7: memref<16384xf32, #tpu.memory_space<hbm>>, %arg8: memref<512xf32, #tpu.memory_space<vmem>>, %arg9: memref<512xf32, #tpu.memory_space<vmem>>, %arg10: memref<512xf32, #tpu.memory_space<vmem>>, %arg11: memref<16xf32, #tpu.memory_space<vmem>>, %arg12: memref<16xf32, #tpu.memory_space<vmem>>, %arg13: memref<16xf32, #tpu.memory_space<vmem>>, %arg14: memref<!tpu.dma_semaphore, #tpu.memory_space<semaphore_mem>>, %arg15: memref<!tpu.dma_semaphore, #tpu.memory_space<semaphore_mem>>, %arg16: memref<!tpu.dma_semaphore, #tpu.memory_space<semaphore_mem>>) attributes {dimension_semantics = [#tpu.dimension_semantics<core_parallel>, #tpu.dimension_semantics<subcore_parallel>], iteration_bounds = array<i64: 2, 16>, scalar_prefetch = 0 : i64, scratch_operands = 9 : i64, tpu.core_type = #tpu.core_type<sc_vector_subcore>, window_params = [{transform_indices = #map}, {transform_indices = #map}, {transform_indices = #map}, {transform_indices = #map}, {transform_indices = #map}, {transform_indices = #map}]} {
    %mul3A = arith.constant 2 : i32
    %mul3A_0 = arith.muli %arg1, %mul3A : i32
    %add3A = arith.addi %mul3A_0, %arg0 : i32
    %mul3A_1 = arith.constant 512 : i32
    %mul3A_2 = arith.muli %add3A, %mul3A_1 : i32
    %dma_start3A = tpu.memref_slice %arg2[%mul3A_2] : memref<16384xf32, #tpu.memory_space<hbm>> -> memref<512xf32, #tpu.memory_space<hbm>>
    %dma_start3A_3 = tpu.memref_slice %arg2[%mul3A_2] : memref<16384xf32, #tpu.memory_space<hbm>> -> memref<512xf32, #tpu.memory_space<hbm>>
    tpu.enqueue_dma source(%dma_start3A_3 : memref<512xf32, #tpu.memory_space<hbm>>) target(%arg8 : memref<512xf32, #tpu.memory_space<vmem>>) target_semaphore(%arg14 : memref<!tpu.dma_semaphore, #tpu.memory_space<semaphore_mem>>)
    %dma_start3A_4 = tpu.memref_slice %arg3[%mul3A_2] : memref<16384xf32, #tpu.memory_space<hbm>> -> memref<512xf32, #tpu.memory_space<hbm>>
    %dma_start3A_5 = tpu.memref_slice %arg3[%mul3A_2] : memref<16384xf32, #tpu.memory_space<hbm>> -> memref<512xf32, #tpu.memory_space<hbm>>
    tpu.enqueue_dma source(%dma_start3A_5 : memref<512xf32, #tpu.memory_space<hbm>>) target(%arg9 : memref<512xf32, #tpu.memory_space<vmem>>) target_semaphore(%arg15 : memref<!tpu.dma_semaphore, #tpu.memory_space<semaphore_mem>>)
    %dma_start3A_6 = arith.constant 0 : i32
    %dma_start3A_7 = tpu.memref_slice %arg11[%dma_start3A_6] : memref<16xf32, #tpu.memory_space<vmem>> -> memref<1xf32, #tpu.memory_space<vmem>>
    %dma_start3A_8 = arith.constant 0 : i32
    %dma_start3A_9 = tpu.memref_slice %arg11[%dma_start3A_8] : memref<16xf32, #tpu.memory_space<vmem>> -> memref<1xf32, #tpu.memory_space<vmem>>
    tpu.enqueue_dma source(%arg4 : memref<1xf32, #tpu.memory_space<hbm>>) target(%dma_start3A_9 : memref<1xf32, #tpu.memory_space<vmem>>) target_semaphore(%arg16 : memref<!tpu.dma_semaphore, #tpu.memory_space<semaphore_mem>>)
    %dma_start3A_10 = arith.constant 0 : i32
    %dma_start3A_11 = tpu.memref_slice %arg12[%dma_start3A_10] : memref<16xf32, #tpu.memory_space<vmem>> -> memref<1xf32, #tpu.memory_space<vmem>>
    %dma_start3A_12 = arith.constant 0 : i32
    %dma_start3A_13 = tpu.memref_slice %arg12[%dma_start3A_12] : memref<16xf32, #tpu.memory_space<vmem>> -> memref<1xf32, #tpu.memory_space<vmem>>
    tpu.enqueue_dma source(%arg5 : memref<1xf32, #tpu.memory_space<hbm>>) target(%dma_start3A_13 : memref<1xf32, #tpu.memory_space<vmem>>) target_semaphore(%arg16 : memref<!tpu.dma_semaphore, #tpu.memory_space<semaphore_mem>>)
    %dma_start3A_14 = arith.constant 0 : i32
    %dma_start3A_15 = tpu.memref_slice %arg13[%dma_start3A_14] : memref<16xf32, #tpu.memory_space<vmem>> -> memref<1xf32, #tpu.memory_space<vmem>>
    %dma_start3A_16 = arith.constant 0 : i32
    %dma_start3A_17 = tpu.memref_slice %arg13[%dma_start3A_16] : memref<16xf32, #tpu.memory_space<vmem>> -> memref<1xf32, #tpu.memory_space<vmem>>
    tpu.enqueue_dma source(%arg6 : memref<1xf32, #tpu.memory_space<hbm>>) target(%dma_start3A_17 : memref<1xf32, #tpu.memory_space<vmem>>) target_semaphore(%arg16 : memref<!tpu.dma_semaphore, #tpu.memory_space<semaphore_mem>>)
    %dma_wait3A = arith.constant 0 : i32
    %dma_wait3A_18 = tpu.memref_slice %arg11[%dma_wait3A] : memref<16xf32, #tpu.memory_space<vmem>> -> memref<1xf32, #tpu.memory_space<vmem>>
    %dma_wait3A_19 = arith.constant 0 : i32
    %dma_wait3A_20 = tpu.memref_slice %arg11[%dma_wait3A_19] : memref<16xf32, #tpu.memory_space<vmem>> -> memref<1xf32, #tpu.memory_space<vmem>>
    tpu.wait_dma2 semaphore(%arg16 : memref<!tpu.dma_semaphore, #tpu.memory_space<semaphore_mem>>) src(%arg4 : memref<1xf32, #tpu.memory_space<hbm>>) dst(%dma_wait3A_20 : memref<1xf32, #tpu.memory_space<vmem>>)
    %dma_wait3A_21 = arith.constant 0 : i32
    %dma_wait3A_22 = tpu.memref_slice %arg12[%dma_wait3A_21] : memref<16xf32, #tpu.memory_space<vmem>> -> memref<1xf32, #tpu.memory_space<vmem>>
    %dma_wait3A_23 = arith.constant 0 : i32
    %dma_wait3A_24 = tpu.memref_slice %arg12[%dma_wait3A_23] : memref<16xf32, #tpu.memory_space<vmem>> -> memref<1xf32, #tpu.memory_space<vmem>>
    tpu.wait_dma2 semaphore(%arg16 : memref<!tpu.dma_semaphore, #tpu.memory_space<semaphore_mem>>) src(%arg5 : memref<1xf32, #tpu.memory_space<hbm>>) dst(%dma_wait3A_24 : memref<1xf32, #tpu.memory_space<vmem>>)
    %dma_wait3A_25 = arith.constant 0 : i32
    %dma_wait3A_26 = tpu.memref_slice %arg13[%dma_wait3A_25] : memref<16xf32, #tpu.memory_space<vmem>> -> memref<1xf32, #tpu.memory_space<vmem>>
    %dma_wait3A_27 = arith.constant 0 : i32
    %dma_wait3A_28 = tpu.memref_slice %arg13[%dma_wait3A_27] : memref<16xf32, #tpu.memory_space<vmem>> -> memref<1xf32, #tpu.memory_space<vmem>>
    tpu.wait_dma2 semaphore(%arg16 : memref<!tpu.dma_semaphore, #tpu.memory_space<semaphore_mem>>) src(%arg6 : memref<1xf32, #tpu.memory_space<hbm>>) dst(%dma_wait3A_28 : memref<1xf32, #tpu.memory_space<vmem>>)
    %get3A = arith.constant 0 : index
    %get3A_29 = tpu.vector_load %arg11[%get3A] {strides = array<i32>} : memref<16xf32, #tpu.memory_space<vmem>>, vector<16xf32>,
    %get3A_30 = vector.shape_cast %get3A_29 : vector<16xf32> to vector<16xf32>
    %slice3A = vector.extract_strided_slice %get3A_30 {offsets = [0], sizes = [1], strides = [1]} : vector<16xf32> to vector<1xf32>
    %squeeze3A = vector.extract %slice3A[0] : f32 from vector<1xf32>
    %get3A_31 = arith.constant 0 : index
    %get3A_32 = tpu.vector_load %arg12[%get3A_31] {strides = array<i32>} : memref<16xf32, #tpu.memory_space<vmem>>, vector<16xf32>,
    %get3A_33 = vector.shape_cast %get3A_32 : vector<16xf32> to vector<16xf32>
    %slice3A_34 = vector.extract_strided_slice %get3A_33 {offsets = [0], sizes = [1], strides = [1]} : vector<16xf32> to vector<1xf32>
    %squeeze3A_35 = vector.extract %slice3A_34[0] : f32 from vector<1xf32>
    %get3A_36 = arith.constant 0 : index
    %get3A_37 = tpu.vector_load %arg13[%get3A_36] {strides = array<i32>} : memref<16xf32, #tpu.memory_space<vmem>>, vector<16xf32>,
    %get3A_38 = vector.shape_cast %get3A_37 : vector<16xf32> to vector<16xf32>
    %slice3A_39 = vector.extract_strided_slice %get3A_38 {offsets = [0], sizes = [1], strides = [1]} : vector<16xf32> to vector<1xf32>
    %squeeze3A_40 = vector.extract %slice3A_39[0] : f32 from vector<1xf32>
    %dma_wait3A_41 = tpu.memref_slice %arg2[%mul3A_2] : memref<16384xf32, #tpu.memory_space<hbm>> -> memref<512xf32, #tpu.memory_space<hbm>>
    %dma_wait3A_42 = tpu.memref_slice %arg2[%mul3A_2] : memref<16384xf32, #tpu.memory_space<hbm>> -> memref<512xf32, #tpu.memory_space<hbm>>
    tpu.wait_dma2 semaphore(%arg14 : memref<!tpu.dma_semaphore, #tpu.memory_space<semaphore_mem>>) src(%dma_wait3A_42 : memref<512xf32, #tpu.memory_space<hbm>>) dst(%arg8 : memref<512xf32, #tpu.memory_space<vmem>>)
    %dma_wait3A_43 = tpu.memref_slice %arg3[%mul3A_2] : memref<16384xf32, #tpu.memory_space<hbm>> -> memref<512xf32, #tpu.memory_space<hbm>>
    %dma_wait3A_44 = tpu.memref_slice %arg3[%mul3A_2] : memref<16384xf32, #tpu.memory_space<hbm>> -> memref<512xf32, #tpu.memory_space<hbm>>
    tpu.wait_dma2 semaphore(%arg15 : memref<!tpu.dma_semaphore, #tpu.memory_space<semaphore_mem>>) src(%dma_wait3A_44 : memref<512xf32, #tpu.memory_space<hbm>>) dst(%arg9 : memref<512xf32, #tpu.memory_space<vmem>>)
    %get3A_45 = arith.constant 0 : index
    %get3A_46 = tpu.vector_load %arg8[%get3A_45] {strides = array<i32>} : memref<512xf32, #tpu.memory_space<vmem>>, vector<16xf32>,
    %get3A_47 = vector.shape_cast %get3A_46 : vector<16xf32> to vector<16xf32>
    %get3A_48 = arith.constant 0 : index
    %get3A_49 = tpu.vector_load %arg9[%get3A_48] {strides = array<i32>} : memref<512xf32, #tpu.memory_space<vmem>>, vector<16xf32>,
    %get3A_50 = vector.shape_cast %get3A_49 : vector<16xf32> to vector<16xf32>
    %mul3A_51 = vector.broadcast %squeeze3A_35 : f32 to vector<16xf32>
    %mul3A_52 = arith.mulf %mul3A_51, %get3A_47 : vector<16xf32>
    %add3A_53 = vector.broadcast %squeeze3A : f32 to vector<16xf32>
    %add3A_54 = arith.addf %add3A_53, %mul3A_52 : vector<16xf32>
    %mul3A_55 = arith.mulf %get3A_50, %get3A_47 : vector<16xf32>
    %mul3A_56 = vector.broadcast %squeeze3A_40 : f32 to vector<16xf32>
    %mul3A_57 = arith.mulf %mul3A_56, %mul3A_55 : vector<16xf32>
    %add3A_58 = arith.addf %add3A_54, %mul3A_57 : vector<16xf32>
    %swap3A = arith.constant 0 : index
    %swap3A_59 = tpu.vector_load %arg10[%swap3A] {strides = array<i32>} : memref<512xf32, #tpu.memory_space<vmem>>, vector<16xf32>,
    %swap3A_60 = vector.shape_cast %swap3A_59 : vector<16xf32> to vector<16xf32>
    %swap3A_61 = vector.shape_cast %add3A_58 : vector<16xf32> to vector<16xf32>
    tpu.vector_store %arg10[%swap3A], %swap3A_61 {strides = array<i32>} : memref<512xf32, #tpu.memory_space<vmem>>, vector<16xf32>,
    %get3A_62 = arith.constant 16 : index
    %get3A_63 = tpu.vector_load %arg8[%get3A_62] {strides = array<i32>} : memref<512xf32, #tpu.memory_space<vmem>>, vector<16xf32>,
    %get3A_64 = vector.shape_cast %get3A_63 : vector<16xf32> to vector<16xf32>
    %get3A_65 = arith.constant 16 : index
    %get3A_66 = tpu.vector_load %arg9[%get3A_65] {strides = array<i32>} : memref<512xf32, #tpu.memory_space<vmem>>, vector<16xf32>,
    %get3A_67 = vector.shape_cast %get3A_66 : vector<16xf32> to vector<16xf32>
    %mul3A_68 = vector.broadcast %squeeze3A_35 : f32 to vector<16xf32>
    %mul3A_69 = arith.mulf %mul3A_68, %get3A_64 : vector<16xf32>
    %add3A_70 = vector.broadcast %squeeze3A : f32 to vector<16xf32>
    %add3A_71 = arith.addf %add3A_70, %mul3A_69 : vector<16xf32>
    %mul3A_72 = arith.mulf %get3A_67, %get3A_64 : vector<16xf32>
    %mul3A_73 = vector.broadcast %squeeze3A_40 : f32 to vector<16xf32>
    %mul3A_74 = arith.mulf %mul3A_73, %mul3A_72 : vector<16xf32>
    %add3A_75 = arith.addf %add3A_71, %mul3A_74 : vector<16xf32>
    %swap3A_76 = arith.constant 16 : index
    %swap3A_77 = tpu.vector_load %arg10[%swap3A_76] {strides = array<i32>} : memref<512xf32, #tpu.memory_space<vmem>>, vector<16xf32>,
    %swap3A_78 = vector.shape_cast %swap3A_77 : vector<16xf32> to vector<16xf32>
    %swap3A_79 = vector.shape_cast %add3A_75 : vector<16xf32> to vector<16xf32>
    tpu.vector_store %arg10[%swap3A_76], %swap3A_79 {strides = array<i32>} : memref<512xf32, #tpu.memory_space<vmem>>, vector<16xf32>,
    %get3A_80 = arith.constant 32 : index
    %get3A_81 = tpu.vector_load %arg8[%get3A_80] {strides = array<i32>} : memref<512xf32, #tpu.memory_space<vmem>>, vector<16xf32>,
    %get3A_82 = vector.shape_cast %get3A_81 : vector<16xf32> to vector<16xf32>
    %get3A_83 = arith.constant 32 : index
    %get3A_84 = tpu.vector_load %arg9[%get3A_83] {strides = array<i32>} : memref<512xf32, #tpu.memory_space<vmem>>, vector<16xf32>,
    %get3A_85 = vector.shape_cast %get3A_84 : vector<16xf32> to vector<16xf32>
    %mul3A_86 = vector.broadcast %squeeze3A_35 : f32 to vector<16xf32>
    %mul3A_87 = arith.mulf %mul3A_86, %get3A_82 : vector<16xf32>
    %add3A_88 = vector.broadcast %squeeze3A : f32 to vector<16xf32>
    %add3A_89 = arith.addf %add3A_88, %mul3A_87 : vector<16xf32>
    %mul3A_90 = arith.mulf %get3A_85, %get3A_82 : vector<16xf32>
    %mul3A_91 = vector.broadcast %squeeze3A_40 : f32 to vector<16xf32>
    %mul3A_92 = arith.mulf %mul3A_91, %mul3A_90 : vector<16xf32>
    %add3A_93 = arith.addf %add3A_89, %mul3A_92 : vector<16xf32>
    %swap3A_94 = arith.constant 32 : index
    %swap3A_95 = tpu.vector_load %arg10[%swap3A_94] {strides = array<i32>} : memref<512xf32, #tpu.memory_space<vmem>>, vector<16xf32>,
    %swap3A_96 = vector.shape_cast %swap3A_95 : vector<16xf32> to vector<16xf32>
    %swap3A_97 = vector.shape_cast %add3A_93 : vector<16xf32> to vector<16xf32>
    tpu.vector_store %arg10[%swap3A_94], %swap3A_97 {strides = array<i32>} : memref<512xf32, #tpu.memory_space<vmem>>, vector<16xf32>,
    %get3A_98 = arith.constant 48 : index
    %get3A_99 = tpu.vector_load %arg8[%get3A_98] {strides = array<i32>} : memref<512xf32, #tpu.memory_space<vmem>>, vector<16xf32>,
    %get3A_100 = vector.shape_cast %get3A_99 : vector<16xf32> to vector<16xf32>
    %get3A_101 = arith.constant 48 : index
    %get3A_102 = tpu.vector_load %arg9[%get3A_101] {strides = array<i32>} : memref<512xf32, #tpu.memory_space<vmem>>, vector<16xf32>,
    %get3A_103 = vector.shape_cast %get3A_102 : vector<16xf32> to vector<16xf32>
    %mul3A_104 = vector.broadcast %squeeze3A_35 : f32 to vector<16xf32>
    %mul3A_105 = arith.mulf %mul3A_104, %get3A_100 : vector<16xf32>
    %add3A_106 = vector.broadcast %squeeze3A : f32 to vector<16xf32>
    %add3A_107 = arith.addf %add3A_106, %mul3A_105 : vector<16xf32>
    %mul3A_108 = arith.mulf %get3A_103, %get3A_100 : vector<16xf32>
    %mul3A_109 = vector.broadcast %squeeze3A_40 : f32 to vector<16xf32>
    %mul3A_110 = arith.mulf %mul3A_109, %mul3A_108 : vector<16xf32>
    %add3A_111 = arith.addf %add3A_107, %mul3A_110 : vector<16xf32>
    %swap3A_112 = arith.constant 48 : index
    %swap3A_113 = tpu.vector_load %arg10[%swap3A_112] {strides = array<i32>} : memref<512xf32, #tpu.memory_space<vmem>>, vector<16xf32>,
    %swap3A_114 = vector.shape_cast %swap3A_113 : vector<16xf32> to vector<16xf32>
    %swap3A_115 = vector.shape_cast %add3A_111 : vector<16xf32> to vector<16xf32>
    tpu.vector_store %arg10[%swap3A_112], %swap3A_115 {strides = array<i32>} : memref<512xf32, #tpu.memory_space<vmem>>, vector<16xf32>,
    %get3A_116 = arith.constant 64 : index
    %get3A_117 = tpu.vector_load %arg8[%get3A_116] {strides = array<i32>} : memref<512xf32, #tpu.memory_space<vmem>>, vector<16xf32>,
    %get3A_118 = vector.shape_cast %get3A_117 : vector<16xf32> to vector<16xf32>
    %get3A_119 = arith.constant 64 : index
    %get3A_120 = tpu.vector_load %arg9[%get3A_119] {strides = array<i32>} : memref<512xf32, #tpu.memory_space<vmem>>, vector<16xf32>,
    %get3A_121 = vector.shape_cast %get3A_120 : vector<16xf32> to vector<16xf32>
    %mul3A_122 = vector.broadcast %squeeze3A_35 : f32 to vector<16xf32>
    %mul3A_123 = arith.mulf %mul3A_122, %get3A_118 : vector<16xf32>
    %add3A_124 = vector.broadcast %squeeze3A : f32 to vector<16xf32>
    %add3A_125 = arith.addf %add3A_124, %mul3A_123 : vector<16xf32>
    %mul3A_126 = arith.mulf %get3A_121, %get3A_118 : vector<16xf32>
    %mul3A_127 = vector.broadcast %squeeze3A_40 : f32 to vector<16xf32>
    %mul3A_128 = arith.mulf %mul3A_127, %mul3A_126 : vector<16xf32>
    %add3A_129 = arith.addf %add3A_125, %mul3A_128 : vector<16xf32>
    %swap3A_130 = arith.constant 64 : index
    %swap3A_131 = tpu.vector_load %arg10[%swap3A_130] {strides = array<i32>} : memref<512xf32, #tpu.memory_space<vmem>>, vector<16xf32>,
    %swap3A_132 = vector.shape_cast %swap3A_131 : vector<16xf32> to vector<16xf32>
    %swap3A_133 = vector.shape_cast %add3A_129 : vector<16xf32> to vector<16xf32>
    tpu.vector_store %arg10[%swap3A_130], %swap3A_133 {strides = array<i32>} : memref<512xf32, #tpu.memory_space<vmem>>, vector<16xf32>,
    %get3A_134 = arith.constant 80 : index
    %get3A_135 = tpu.vector_load %arg8[%get3A_134] {strides = array<i32>} : memref<512xf32, #tpu.memory_space<vmem>>, vector<16xf32>,
    %get3A_136 = vector.shape_cast %get3A_135 : vector<16xf32> to vector<16xf32>
    %get3A_137 = arith.constant 80 : index
    %get3A_138 = tpu.vector_load %arg9[%get3A_137] {strides = array<i32>} : memref<512xf32, #tpu.memory_space<vmem>>, vector<16xf32>,
    %get3A_139 = vector.shape_cast %get3A_138 : vector<16xf32> to vector<16xf32>
    %mul3A_140 = vector.broadcast %squeeze3A_35 : f32 to vector<16xf32>
    %mul3A_141 = arith.mulf %mul3A_140, %get3A_136 : vector<16xf32>
    %add3A_142 = vector.broadcast %squeeze3A : f32 to vector<16xf32>
    %add3A_143 = arith.addf %add3A_142, %mul3A_141 : vector<16xf32>
    %mul3A_144 = arith.mulf %get3A_139, %get3A_136 : vector<16xf32>
    %mul3A_145 = vector.broadcast %squeeze3A_40 : f32 to vector<16xf32>
    %mul3A_146 = arith.mulf %mul3A_145, %mul3A_144 : vector<16xf32>
    %add3A_147 = arith.addf %add3A_143, %mul3A_146 : vector<16xf32>
    %swap3A_148 = arith.constant 80 : index
    %swap3A_149 = tpu.vector_load %arg10[%swap3A_148] {strides = array<i32>} : memref<512xf32, #tpu.memory_space<vmem>>, vector<16xf32>,
    %swap3A_150 = vector.shape_cast %swap3A_149 : vector<16xf32> to vector<16xf32>
    %swap3A_151 = vector.shape_cast %add3A_147 : vector<16xf32> to vector<16xf32>
    tpu.vector_store %arg10[%swap3A_148], %swap3A_151 {strides = array<i32>} : memref<512xf32, #tpu.memory_space<vmem>>, vector<16xf32>,
    %get3A_152 = arith.constant 96 : index
    %get3A_153 = tpu.vector_load %arg8[%get3A_152] {strides = array<i32>} : memref<512xf32, #tpu.memory_space<vmem>>, vector<16xf32>,
    %get3A_154 = vector.shape_cast %get3A_153 : vector<16xf32> to vector<16xf32>
    %get3A_155 = arith.constant 96 : index
    %get3A_156 = tpu.vector_load %arg9[%get3A_155] {strides = array<i32>} : memref<512xf32, #tpu.memory_space<vmem>>, vector<16xf32>,
    %get3A_157 = vector.shape_cast %get3A_156 : vector<16xf32> to vector<16xf32>
    %mul3A_158 = vector.broadcast %squeeze3A_35 : f32 to vector<16xf32>
    %mul3A_159 = arith.mulf %mul3A_158, %get3A_154 : vector<16xf32>
    %add3A_160 = vector.broadcast %squeeze3A : f32 to vector<16xf32>
    %add3A_161 = arith.addf %add3A_160, %mul3A_159 : vector<16xf32>
    %mul3A_162 = arith.mulf %get3A_157, %get3A_154 : vector<16xf32>
    %mul3A_163 = vector.broadcast %squeeze3A_40 : f32 to vector<16xf32>
    %mul3A_164 = arith.mulf %mul3A_163, %mul3A_162 : vector<16xf32>
    %add3A_165 = arith.addf %add3A_161, %mul3A_164 : vector<16xf32>
    %swap3A_166 = arith.constant 96 : index
    %swap3A_167 = tpu.vector_load %arg10[%swap3A_166] {strides = array<i32>} : memref<512xf32, #tpu.memory_space<vmem>>, vector<16xf32>,
    %swap3A_168 = vector.shape_cast %swap3A_167 : vector<16xf32> to vector<16xf32>
    %swap3A_169 = vector.shape_cast %add3A_165 : vector<16xf32> to vector<16xf32>
    tpu.vector_store %arg10[%swap3A_166], %swap3A_169 {strides = array<i32>} : memref<512xf32, #tpu.memory_space<vmem>>, vector<16xf32>,
    %get3A_170 = arith.constant 112 : index
    %get3A_171 = tpu.vector_load %arg8[%get3A_170] {strides = array<i32>} : memref<512xf32, #tpu.memory_space<vmem>>, vector<16xf32>,
    %get3A_172 = vector.shape_cast %get3A_171 : vector<16xf32> to vector<16xf32>
    %get3A_173 = arith.constant 112 : index
    %get3A_174 = tpu.vector_load %arg9[%get3A_173] {strides = array<i32>} : memref<512xf32, #tpu.memory_space<vmem>>, vector<16xf32>,
    %get3A_175 = vector.shape_cast %get3A_174 : vector<16xf32> to vector<16xf32>
    %mul3A_176 = vector.broadcast %squeeze3A_35 : f32 to vector<16xf32>
    %mul3A_177 = arith.mulf %mul3A_176, %get3A_172 : vector<16xf32>
    %add3A_178 = vector.broadcast %squeeze3A : f32 to vector<16xf32>
    %add3A_179 = arith.addf %add3A_178, %mul3A_177 : vector<16xf32>
    %mul3A_180 = arith.mulf %get3A_175, %get3A_172 : vector<16xf32>
    %mul3A_181 = vector.broadcast %squeeze3A_40 : f32 to vector<16xf32>
    %mul3A_182 = arith.mulf %mul3A_181, %mul3A_180 : vector<16xf32>
    %add3A_183 = arith.addf %add3A_179, %mul3A_182 : vector<16xf32>
    %swap3A_184 = arith.constant 112 : index
    %swap3A_185 = tpu.vector_load %arg10[%swap3A_184] {strides = array<i32>} : memref<512xf32, #tpu.memory_space<vmem>>, vector<16xf32>,
    %swap3A_186 = vector.shape_cast %swap3A_185 : vector<16xf32> to vector<16xf32>
    %swap3A_187 = vector.shape_cast %add3A_183 : vector<16xf32> to vector<16xf32>
    tpu.vector_store %arg10[%swap3A_184], %swap3A_187 {strides = array<i32>} : memref<512xf32, #tpu.memory_space<vmem>>, vector<16xf32>,
    %get3A_188 = arith.constant 128 : index
    %get3A_189 = tpu.vector_load %arg8[%get3A_188] {strides = array<i32>} : memref<512xf32, #tpu.memory_space<vmem>>, vector<16xf32>,
    %get3A_190 = vector.shape_cast %get3A_189 : vector<16xf32> to vector<16xf32>
    %get3A_191 = arith.constant 128 : index
    %get3A_192 = tpu.vector_load %arg9[%get3A_191] {strides = array<i32>} : memref<512xf32, #tpu.memory_space<vmem>>, vector<16xf32>,
    %get3A_193 = vector.shape_cast %get3A_192 : vector<16xf32> to vector<16xf32>
    %mul3A_194 = vector.broadcast %squeeze3A_35 : f32 to vector<16xf32>
    %mul3A_195 = arith.mulf %mul3A_194, %get3A_190 : vector<16xf32>
    %add3A_196 = vector.broadcast %squeeze3A : f32 to vector<16xf32>
    %add3A_197 = arith.addf %add3A_196, %mul3A_195 : vector<16xf32>
    %mul3A_198 = arith.mulf %get3A_193, %get3A_190 : vector<16xf32>
    %mul3A_199 = vector.broadcast %squeeze3A_40 : f32 to vector<16xf32>
    %mul3A_200 = arith.mulf %mul3A_199, %mul3A_198 : vector<16xf32>
    %add3A_201 = arith.addf %add3A_197, %mul3A_200 : vector<16xf32>
    %swap3A_202 = arith.constant 128 : index
    %swap3A_203 = tpu.vector_load %arg10[%swap3A_202] {strides = array<i32>} : memref<512xf32, #tpu.memory_space<vmem>>, vector<16xf32>,
    %swap3A_204 = vector.shape_cast %swap3A_203 : vector<16xf32> to vector<16xf32>
    %swap3A_205 = vector.shape_cast %add3A_201 : vector<16xf32> to vector<16xf32>
    tpu.vector_store %arg10[%swap3A_202], %swap3A_205 {strides = array<i32>} : memref<512xf32, #tpu.memory_space<vmem>>, vector<16xf32>,
    %get3A_206 = arith.constant 144 : index
    %get3A_207 = tpu.vector_load %arg8[%get3A_206] {strides = array<i32>} : memref<512xf32, #tpu.memory_space<vmem>>, vector<16xf32>,
    %get3A_208 = vector.shape_cast %get3A_207 : vector<16xf32> to vector<16xf32>
    %get3A_209 = arith.constant 144 : index
    %get3A_210 = tpu.vector_load %arg9[%get3A_209] {strides = array<i32>} : memref<512xf32, #tpu.memory_space<vmem>>, vector<16xf32>,
    %get3A_211 = vector.shape_cast %get3A_210 : vector<16xf32> to vector<16xf32>
    %mul3A_212 = vector.broadcast %squeeze3A_35 : f32 to vector<16xf32>
    %mul3A_213 = arith.mulf %mul3A_212, %get3A_208 : vector<16xf32>
    %add3A_214 = vector.broadcast %squeeze3A : f32 to vector<16xf32>
    %add3A_215 = arith.addf %add3A_214, %mul3A_213 : vector<16xf32>
    %mul3A_216 = arith.mulf %get3A_211, %get3A_208 : vector<16xf32>
    %mul3A_217 = vector.broadcast %squeeze3A_40 : f32 to vector<16xf32>
    %mul3A_218 = arith.mulf %mul3A_217, %mul3A_216 : vector<16xf32>
    %add3A_219 = arith.addf %add3A_215, %mul3A_218 : vector<16xf32>
    %swap3A_220 = arith.constant 144 : index
    %swap3A_221 = tpu.vector_load %arg10[%swap3A_220] {strides = array<i32>} : memref<512xf32, #tpu.memory_space<vmem>>, vector<16xf32>,
    %swap3A_222 = vector.shape_cast %swap3A_221 : vector<16xf32> to vector<16xf32>
    %swap3A_223 = vector.shape_cast %add3A_219 : vector<16xf32> to vector<16xf32>
    tpu.vector_store %arg10[%swap3A_220], %swap3A_223 {strides = array<i32>} : memref<512xf32, #tpu.memory_space<vmem>>, vector<16xf32>,
    %get3A_224 = arith.constant 160 : index
    %get3A_225 = tpu.vector_load %arg8[%get3A_224] {strides = array<i32>} : memref<512xf32, #tpu.memory_space<vmem>>, vector<16xf32>,
    %get3A_226 = vector.shape_cast %get3A_225 : vector<16xf32> to vector<16xf32>
    %get3A_227 = arith.constant 160 : index
    %get3A_228 = tpu.vector_load %arg9[%get3A_227] {strides = array<i32>} : memref<512xf32, #tpu.memory_space<vmem>>, vector<16xf32>,
    %get3A_229 = vector.shape_cast %get3A_228 : vector<16xf32> to vector<16xf32>
    %mul3A_230 = vector.broadcast %squeeze3A_35 : f32 to vector<16xf32>
    %mul3A_231 = arith.mulf %mul3A_230, %get3A_226 : vector<16xf32>
    %add3A_232 = vector.broadcast %squeeze3A : f32 to vector<16xf32>
    %add3A_233 = arith.addf %add3A_232, %mul3A_231 : vector<16xf32>
    %mul3A_234 = arith.mulf %get3A_229, %get3A_226 : vector<16xf32>
    %mul3A_235 = vector.broadcast %squeeze3A_40 : f32 to vector<16xf32>
    %mul3A_236 = arith.mulf %mul3A_235, %mul3A_234 : vector<16xf32>
    %add3A_237 = arith.addf %add3A_233, %mul3A_236 : vector<16xf32>
    %swap3A_238 = arith.constant 160 : index
    %swap3A_239 = tpu.vector_load %arg10[%swap3A_238] {strides = array<i32>} : memref<512xf32, #tpu.memory_space<vmem>>, vector<16xf32>,
    %swap3A_240 = vector.shape_cast %swap3A_239 : vector<16xf32> to vector<16xf32>
    %swap3A_241 = vector.shape_cast %add3A_237 : vector<16xf32> to vector<16xf32>
    tpu.vector_store %arg10[%swap3A_238], %swap3A_241 {strides = array<i32>} : memref<512xf32, #tpu.memory_space<vmem>>, vector<16xf32>,
    %get3A_242 = arith.constant 176 : index
    %get3A_243 = tpu.vector_load %arg8[%get3A_242] {strides = array<i32>} : memref<512xf32, #tpu.memory_space<vmem>>, vector<16xf32>,
    %get3A_244 = vector.shape_cast %get3A_243 : vector<16xf32> to vector<16xf32>
    %get3A_245 = arith.constant 176 : index
    %get3A_246 = tpu.vector_load %arg9[%get3A_245] {strides = array<i32>} : memref<512xf32, #tpu.memory_space<vmem>>, vector<16xf32>,
    %get3A_247 = vector.shape_cast %get3A_246 : vector<16xf32> to vector<16xf32>
    %mul3A_248 = vector.broadcast %squeeze3A_35 : f32 to vector<16xf32>
    %mul3A_249 = arith.mulf %mul3A_248, %get3A_244 : vector<16xf32>
    %add3A_250 = vector.broadcast %squeeze3A : f32 to vector<16xf32>
    %add3A_251 = arith.addf %add3A_250, %mul3A_249 : vector<16xf32>
    %mul3A_252 = arith.mulf %get3A_247, %get3A_244 : vector<16xf32>
    %mul3A_253 = vector.broadcast %squeeze3A_40 : f32 to vector<16xf32>
    %mul3A_254 = arith.mulf %mul3A_253, %mul3A_252 : vector<16xf32>
    %add3A_255 = arith.addf %add3A_251, %mul3A_254 : vector<16xf32>
    %swap3A_256 = arith.constant 176 : index
    %swap3A_257 = tpu.vector_load %arg10[%swap3A_256] {strides = array<i32>} : memref<512xf32, #tpu.memory_space<vmem>>, vector<16xf32>,
    %swap3A_258 = vector.shape_cast %swap3A_257 : vector<16xf32> to vector<16xf32>
    %swap3A_259 = vector.shape_cast %add3A_255 : vector<16xf32> to vector<16xf32>
    tpu.vector_store %arg10[%swap3A_256], %swap3A_259 {strides = array<i32>} : memref<512xf32, #tpu.memory_space<vmem>>, vector<16xf32>,
    %get3A_260 = arith.constant 192 : index
    %get3A_261 = tpu.vector_load %arg8[%get3A_260] {strides = array<i32>} : memref<512xf32, #tpu.memory_space<vmem>>, vector<16xf32>,
    %get3A_262 = vector.shape_cast %get3A_261 : vector<16xf32> to vector<16xf32>
    %get3A_263 = arith.constant 192 : index
    %get3A_264 = tpu.vector_load %arg9[%get3A_263] {strides = array<i32>} : memref<512xf32, #tpu.memory_space<vmem>>, vector<16xf32>,
    %get3A_265 = vector.shape_cast %get3A_264 : vector<16xf32> to vector<16xf32>
    %mul3A_266 = vector.broadcast %squeeze3A_35 : f32 to vector<16xf32>
    %mul3A_267 = arith.mulf %mul3A_266, %get3A_262 : vector<16xf32>
    %add3A_268 = vector.broadcast %squeeze3A : f32 to vector<16xf32>
    %add3A_269 = arith.addf %add3A_268, %mul3A_267 : vector<16xf32>
    %mul3A_270 = arith.mulf %get3A_265, %get3A_262 : vector<16xf32>
    %mul3A_271 = vector.broadcast %squeeze3A_40 : f32 to vector<16xf32>
    %mul3A_272 = arith.mulf %mul3A_271, %mul3A_270 : vector<16xf32>
    %add3A_273 = arith.addf %add3A_269, %mul3A_272 : vector<16xf32>
    %swap3A_274 = arith.constant 192 : index
    %swap3A_275 = tpu.vector_load %arg10[%swap3A_274] {strides = array<i32>} : memref<512xf32, #tpu.memory_space<vmem>>, vector<16xf32>,
    %swap3A_276 = vector.shape_cast %swap3A_275 : vector<16xf32> to vector<16xf32>
    %swap3A_277 = vector.shape_cast %add3A_273 : vector<16xf32> to vector<16xf32>
    tpu.vector_store %arg10[%swap3A_274], %swap3A_277 {strides = array<i32>} : memref<512xf32, #tpu.memory_space<vmem>>, vector<16xf32>,
    %get3A_278 = arith.constant 208 : index
    %get3A_279 = tpu.vector_load %arg8[%get3A_278] {strides = array<i32>} : memref<512xf32, #tpu.memory_space<vmem>>, vector<16xf32>,
    %get3A_280 = vector.shape_cast %get3A_279 : vector<16xf32> to vector<16xf32>
    %get3A_281 = arith.constant 208 : index
    %get3A_282 = tpu.vector_load %arg9[%get3A_281] {strides = array<i32>} : memref<512xf32, #tpu.memory_space<vmem>>, vector<16xf32>,
    %get3A_283 = vector.shape_cast %get3A_282 : vector<16xf32> to vector<16xf32>
    %mul3A_284 = vector.broadcast %squeeze3A_35 : f32 to vector<16xf32>
    %mul3A_285 = arith.mulf %mul3A_284, %get3A_280 : vector<16xf32>
    %add3A_286 = vector.broadcast %squeeze3A : f32 to vector<16xf32>
    %add3A_287 = arith.addf %add3A_286, %mul3A_285 : vector<16xf32>
    %mul3A_288 = arith.mulf %get3A_283, %get3A_280 : vector<16xf32>
    %mul3A_289 = vector.broadcast %squeeze3A_40 : f32 to vector<16xf32>
    %mul3A_290 = arith.mulf %mul3A_289, %mul3A_288 : vector<16xf32>
    %add3A_291 = arith.addf %add3A_287, %mul3A_290 : vector<16xf32>
    %swap3A_292 = arith.constant 208 : index
    %swap3A_293 = tpu.vector_load %arg10[%swap3A_292] {strides = array<i32>} : memref<512xf32, #tpu.memory_space<vmem>>, vector<16xf32>,
    %swap3A_294 = vector.shape_cast %swap3A_293 : vector<16xf32> to vector<16xf32>
    %swap3A_295 = vector.shape_cast %add3A_291 : vector<16xf32> to vector<16xf32>
    tpu.vector_store %arg10[%swap3A_292], %swap3A_295 {strides = array<i32>} : memref<512xf32, #tpu.memory_space<vmem>>, vector<16xf32>,
    %get3A_296 = arith.constant 224 : index
    %get3A_297 = tpu.vector_load %arg8[%get3A_296] {strides = array<i32>} : memref<512xf32, #tpu.memory_space<vmem>>, vector<16xf32>,
    %get3A_298 = vector.shape_cast %get3A_297 : vector<16xf32> to vector<16xf32>
    %get3A_299 = arith.constant 224 : index
    %get3A_300 = tpu.vector_load %arg9[%get3A_299] {strides = array<i32>} : memref<512xf32, #tpu.memory_space<vmem>>, vector<16xf32>,
    %get3A_301 = vector.shape_cast %get3A_300 : vector<16xf32> to vector<16xf32>
    %mul3A_302 = vector.broadcast %squeeze3A_35 : f32 to vector<16xf32>
    %mul3A_303 = arith.mulf %mul3A_302, %get3A_298 : vector<16xf32>
    %add3A_304 = vector.broadcast %squeeze3A : f32 to vector<16xf32>
    %add3A_305 = arith.addf %add3A_304, %mul3A_303 : vector<16xf32>
    %mul3A_306 = arith.mulf %get3A_301, %get3A_298 : vector<16xf32>
    %mul3A_307 = vector.broadcast %squeeze3A_40 : f32 to vector<16xf32>
    %mul3A_308 = arith.mulf %mul3A_307, %mul3A_306 : vector<16xf32>
    %add3A_309 = arith.addf %add3A_305, %mul3A_308 : vector<16xf32>
    %swap3A_310 = arith.constant 224 : index
    %swap3A_311 = tpu.vector_load %arg10[%swap3A_310] {strides = array<i32>} : memref<512xf32, #tpu.memory_space<vmem>>, vector<16xf32>,
    %swap3A_312 = vector.shape_cast %swap3A_311 : vector<16xf32> to vector<16xf32>
    %swap3A_313 = vector.shape_cast %add3A_309 : vector<16xf32> to vector<16xf32>
    tpu.vector_store %arg10[%swap3A_310], %swap3A_313 {strides = array<i32>} : memref<512xf32, #tpu.memory_space<vmem>>, vector<16xf32>,
    %get3A_314 = arith.constant 240 : index
    %get3A_315 = tpu.vector_load %arg8[%get3A_314] {strides = array<i32>} : memref<512xf32, #tpu.memory_space<vmem>>, vector<16xf32>,
    %get3A_316 = vector.shape_cast %get3A_315 : vector<16xf32> to vector<16xf32>
    %get3A_317 = arith.constant 240 : index
    %get3A_318 = tpu.vector_load %arg9[%get3A_317] {strides = array<i32>} : memref<512xf32, #tpu.memory_space<vmem>>, vector<16xf32>,
    %get3A_319 = vector.shape_cast %get3A_318 : vector<16xf32> to vector<16xf32>
    %mul3A_320 = vector.broadcast %squeeze3A_35 : f32 to vector<16xf32>
    %mul3A_321 = arith.mulf %mul3A_320, %get3A_316 : vector<16xf32>
    %add3A_322 = vector.broadcast %squeeze3A : f32 to vector<16xf32>
    %add3A_323 = arith.addf %add3A_322, %mul3A_321 : vector<16xf32>
    %mul3A_324 = arith.mulf %get3A_319, %get3A_316 : vector<16xf32>
    %mul3A_325 = vector.broadcast %squeeze3A_40 : f32 to vector<16xf32>
    %mul3A_326 = arith.mulf %mul3A_325, %mul3A_324 : vector<16xf32>
    %add3A_327 = arith.addf %add3A_323, %mul3A_326 : vector<16xf32>
    %swap3A_328 = arith.constant 240 : index
    %swap3A_329 = tpu.vector_load %arg10[%swap3A_328] {strides = array<i32>} : memref<512xf32, #tpu.memory_space<vmem>>, vector<16xf32>,
    %swap3A_330 = vector.shape_cast %swap3A_329 : vector<16xf32> to vector<16xf32>
    %swap3A_331 = vector.shape_cast %add3A_327 : vector<16xf32> to vector<16xf32>
    tpu.vector_store %arg10[%swap3A_328], %swap3A_331 {strides = array<i32>} : memref<512xf32, #tpu.memory_space<vmem>>, vector<16xf32>,
    %get3A_332 = arith.constant 256 : index
    %get3A_333 = tpu.vector_load %arg8[%get3A_332] {strides = array<i32>} : memref<512xf32, #tpu.memory_space<vmem>>, vector<16xf32>,
    %get3A_334 = vector.shape_cast %get3A_333 : vector<16xf32> to vector<16xf32>
    %get3A_335 = arith.constant 256 : index
    %get3A_336 = tpu.vector_load %arg9[%get3A_335] {strides = array<i32>} : memref<512xf32, #tpu.memory_space<vmem>>, vector<16xf32>,
    %get3A_337 = vector.shape_cast %get3A_336 : vector<16xf32> to vector<16xf32>
    %mul3A_338 = vector.broadcast %squeeze3A_35 : f32 to vector<16xf32>
    %mul3A_339 = arith.mulf %mul3A_338, %get3A_334 : vector<16xf32>
    %add3A_340 = vector.broadcast %squeeze3A : f32 to vector<16xf32>
    %add3A_341 = arith.addf %add3A_340, %mul3A_339 : vector<16xf32>
    %mul3A_342 = arith.mulf %get3A_337, %get3A_334 : vector<16xf32>
    %mul3A_343 = vector.broadcast %squeeze3A_40 : f32 to vector<16xf32>
    %mul3A_344 = arith.mulf %mul3A_343, %mul3A_342 : vector<16xf32>
    %add3A_345 = arith.addf %add3A_341, %mul3A_344 : vector<16xf32>
    %swap3A_346 = arith.constant 256 : index
    %swap3A_347 = tpu.vector_load %arg10[%swap3A_346] {strides = array<i32>} : memref<512xf32, #tpu.memory_space<vmem>>, vector<16xf32>,
    %swap3A_348 = vector.shape_cast %swap3A_347 : vector<16xf32> to vector<16xf32>
    %swap3A_349 = vector.shape_cast %add3A_345 : vector<16xf32> to vector<16xf32>
    tpu.vector_store %arg10[%swap3A_346], %swap3A_349 {strides = array<i32>} : memref<512xf32, #tpu.memory_space<vmem>>, vector<16xf32>,
    %get3A_350 = arith.constant 272 : index
    %get3A_351 = tpu.vector_load %arg8[%get3A_350] {strides = array<i32>} : memref<512xf32, #tpu.memory_space<vmem>>, vector<16xf32>,
    %get3A_352 = vector.shape_cast %get3A_351 : vector<16xf32> to vector<16xf32>
    %get3A_353 = arith.constant 272 : index
    %get3A_354 = tpu.vector_load %arg9[%get3A_353] {strides = array<i32>} : memref<512xf32, #tpu.memory_space<vmem>>, vector<16xf32>,
    %get3A_355 = vector.shape_cast %get3A_354 : vector<16xf32> to vector<16xf32>
    %mul3A_356 = vector.broadcast %squeeze3A_35 : f32 to vector<16xf32>
    %mul3A_357 = arith.mulf %mul3A_356, %get3A_352 : vector<16xf32>
    %add3A_358 = vector.broadcast %squeeze3A : f32 to vector<16xf32>
    %add3A_359 = arith.addf %add3A_358, %mul3A_357 : vector<16xf32>
    %mul3A_360 = arith.mulf %get3A_355, %get3A_352 : vector<16xf32>
    %mul3A_361 = vector.broadcast %squeeze3A_40 : f32 to vector<16xf32>
    %mul3A_362 = arith.mulf %mul3A_361, %mul3A_360 : vector<16xf32>
    %add3A_363 = arith.addf %add3A_359, %mul3A_362 : vector<16xf32>
    %swap3A_364 = arith.constant 272 : index
    %swap3A_365 = tpu.vector_load %arg10[%swap3A_364] {strides = array<i32>} : memref<512xf32, #tpu.memory_space<vmem>>, vector<16xf32>,
    %swap3A_366 = vector.shape_cast %swap3A_365 : vector<16xf32> to vector<16xf32>
    %swap3A_367 = vector.shape_cast %add3A_363 : vector<16xf32> to vector<16xf32>
    tpu.vector_store %arg10[%swap3A_364], %swap3A_367 {strides = array<i32>} : memref<512xf32, #tpu.memory_space<vmem>>, vector<16xf32>,
    %get3A_368 = arith.constant 288 : index
    %get3A_369 = tpu.vector_load %arg8[%get3A_368] {strides = array<i32>} : memref<512xf32, #tpu.memory_space<vmem>>, vector<16xf32>,
    %get3A_370 = vector.shape_cast %get3A_369 : vector<16xf32> to vector<16xf32>
    %get3A_371 = arith.constant 288 : index
    %get3A_372 = tpu.vector_load %arg9[%get3A_371] {strides = array<i32>} : memref<512xf32, #tpu.memory_space<vmem>>, vector<16xf32>,
    %get3A_373 = vector.shape_cast %get3A_372 : vector<16xf32> to vector<16xf32>
    %mul3A_374 = vector.broadcast %squeeze3A_35 : f32 to vector<16xf32>
    %mul3A_375 = arith.mulf %mul3A_374, %get3A_370 : vector<16xf32>
    %add3A_376 = vector.broadcast %squeeze3A : f32 to vector<16xf32>
    %add3A_377 = arith.addf %add3A_376, %mul3A_375 : vector<16xf32>
    %mul3A_378 = arith.mulf %get3A_373, %get3A_370 : vector<16xf32>
    %mul3A_379 = vector.broadcast %squeeze3A_40 : f32 to vector<16xf32>
    %mul3A_380 = arith.mulf %mul3A_379, %mul3A_378 : vector<16xf32>
    %add3A_381 = arith.addf %add3A_377, %mul3A_380 : vector<16xf32>
    %swap3A_382 = arith.constant 288 : index
    %swap3A_383 = tpu.vector_load %arg10[%swap3A_382] {strides = array<i32>} : memref<512xf32, #tpu.memory_space<vmem>>, vector<16xf32>,
    %swap3A_384 = vector.shape_cast %swap3A_383 : vector<16xf32> to vector<16xf32>
    %swap3A_385 = vector.shape_cast %add3A_381 : vector<16xf32> to vector<16xf32>
    tpu.vector_store %arg10[%swap3A_382], %swap3A_385 {strides = array<i32>} : memref<512xf32, #tpu.memory_space<vmem>>, vector<16xf32>,
    %get3A_386 = arith.constant 304 : index
    %get3A_387 = tpu.vector_load %arg8[%get3A_386] {strides = array<i32>} : memref<512xf32, #tpu.memory_space<vmem>>, vector<16xf32>,
    %get3A_388 = vector.shape_cast %get3A_387 : vector<16xf32> to vector<16xf32>
    %get3A_389 = arith.constant 304 : index
    %get3A_390 = tpu.vector_load %arg9[%get3A_389] {strides = array<i32>} : memref<512xf32, #tpu.memory_space<vmem>>, vector<16xf32>,
    %get3A_391 = vector.shape_cast %get3A_390 : vector<16xf32> to vector<16xf32>
    %mul3A_392 = vector.broadcast %squeeze3A_35 : f32 to vector<16xf32>
    %mul3A_393 = arith.mulf %mul3A_392, %get3A_388 : vector<16xf32>
    %add3A_394 = vector.broadcast %squeeze3A : f32 to vector<16xf32>
    %add3A_395 = arith.addf %add3A_394, %mul3A_393 : vector<16xf32>
    %mul3A_396 = arith.mulf %get3A_391, %get3A_388 : vector<16xf32>
    %mul3A_397 = vector.broadcast %squeeze3A_40 : f32 to vector<16xf32>
    %mul3A_398 = arith.mulf %mul3A_397, %mul3A_396 : vector<16xf32>
    %add3A_399 = arith.addf %add3A_395, %mul3A_398 : vector<16xf32>
    %swap3A_400 = arith.constant 304 : index
    %swap3A_401 = tpu.vector_load %arg10[%swap3A_400] {strides = array<i32>} : memref<512xf32, #tpu.memory_space<vmem>>, vector<16xf32>,
    %swap3A_402 = vector.shape_cast %swap3A_401 : vector<16xf32> to vector<16xf32>
    %swap3A_403 = vector.shape_cast %add3A_399 : vector<16xf32> to vector<16xf32>
    tpu.vector_store %arg10[%swap3A_400], %swap3A_403 {strides = array<i32>} : memref<512xf32, #tpu.memory_space<vmem>>, vector<16xf32>,
    %get3A_404 = arith.constant 320 : index
    %get3A_405 = tpu.vector_load %arg8[%get3A_404] {strides = array<i32>} : memref<512xf32, #tpu.memory_space<vmem>>, vector<16xf32>,
    %get3A_406 = vector.shape_cast %get3A_405 : vector<16xf32> to vector<16xf32>
    %get3A_407 = arith.constant 320 : index
    %get3A_408 = tpu.vector_load %arg9[%get3A_407] {strides = array<i32>} : memref<512xf32, #tpu.memory_space<vmem>>, vector<16xf32>,
    %get3A_409 = vector.shape_cast %get3A_408 : vector<16xf32> to vector<16xf32>
    %mul3A_410 = vector.broadcast %squeeze3A_35 : f32 to vector<16xf32>
    %mul3A_411 = arith.mulf %mul3A_410, %get3A_406 : vector<16xf32>
    %add3A_412 = vector.broadcast %squeeze3A : f32 to vector<16xf32>
    %add3A_413 = arith.addf %add3A_412, %mul3A_411 : vector<16xf32>
    %mul3A_414 = arith.mulf %get3A_409, %get3A_406 : vector<16xf32>
    %mul3A_415 = vector.broadcast %squeeze3A_40 : f32 to vector<16xf32>
    %mul3A_416 = arith.mulf %mul3A_415, %mul3A_414 : vector<16xf32>
    %add3A_417 = arith.addf %add3A_413, %mul3A_416 : vector<16xf32>
    %swap3A_418 = arith.constant 320 : index
    %swap3A_419 = tpu.vector_load %arg10[%swap3A_418] {strides = array<i32>} : memref<512xf32, #tpu.memory_space<vmem>>, vector<16xf32>,
    %swap3A_420 = vector.shape_cast %swap3A_419 : vector<16xf32> to vector<16xf32>
    %swap3A_421 = vector.shape_cast %add3A_417 : vector<16xf32> to vector<16xf32>
    tpu.vector_store %arg10[%swap3A_418], %swap3A_421 {strides = array<i32>} : memref<512xf32, #tpu.memory_space<vmem>>, vector<16xf32>,
    %get3A_422 = arith.constant 336 : index
    %get3A_423 = tpu.vector_load %arg8[%get3A_422] {strides = array<i32>} : memref<512xf32, #tpu.memory_space<vmem>>, vector<16xf32>,
    %get3A_424 = vector.shape_cast %get3A_423 : vector<16xf32> to vector<16xf32>
    %get3A_425 = arith.constant 336 : index
    %get3A_426 = tpu.vector_load %arg9[%get3A_425] {strides = array<i32>} : memref<512xf32, #tpu.memory_space<vmem>>, vector<16xf32>,
    %get3A_427 = vector.shape_cast %get3A_426 : vector<16xf32> to vector<16xf32>
    %mul3A_428 = vector.broadcast %squeeze3A_35 : f32 to vector<16xf32>
    %mul3A_429 = arith.mulf %mul3A_428, %get3A_424 : vector<16xf32>
    %add3A_430 = vector.broadcast %squeeze3A : f32 to vector<16xf32>
    %add3A_431 = arith.addf %add3A_430, %mul3A_429 : vector<16xf32>
    %mul3A_432 = arith.mulf %get3A_427, %get3A_424 : vector<16xf32>
    %mul3A_433 = vector.broadcast %squeeze3A_40 : f32 to vector<16xf32>
    %mul3A_434 = arith.mulf %mul3A_433, %mul3A_432 : vector<16xf32>
    %add3A_435 = arith.addf %add3A_431, %mul3A_434 : vector<16xf32>
    %swap3A_436 = arith.constant 336 : index
    %swap3A_437 = tpu.vector_load %arg10[%swap3A_436] {strides = array<i32>} : memref<512xf32, #tpu.memory_space<vmem>>, vector<16xf32>,
    %swap3A_438 = vector.shape_cast %swap3A_437 : vector<16xf32> to vector<16xf32>
    %swap3A_439 = vector.shape_cast %add3A_435 : vector<16xf32> to vector<16xf32>
    tpu.vector_store %arg10[%swap3A_436], %swap3A_439 {strides = array<i32>} : memref<512xf32, #tpu.memory_space<vmem>>, vector<16xf32>,
    %get3A_440 = arith.constant 352 : index
    %get3A_441 = tpu.vector_load %arg8[%get3A_440] {strides = array<i32>} : memref<512xf32, #tpu.memory_space<vmem>>, vector<16xf32>,
    %get3A_442 = vector.shape_cast %get3A_441 : vector<16xf32> to vector<16xf32>
    %get3A_443 = arith.constant 352 : index
    %get3A_444 = tpu.vector_load %arg9[%get3A_443] {strides = array<i32>} : memref<512xf32, #tpu.memory_space<vmem>>, vector<16xf32>,
    %get3A_445 = vector.shape_cast %get3A_444 : vector<16xf32> to vector<16xf32>
    %mul3A_446 = vector.broadcast %squeeze3A_35 : f32 to vector<16xf32>
    %mul3A_447 = arith.mulf %mul3A_446, %get3A_442 : vector<16xf32>
    %add3A_448 = vector.broadcast %squeeze3A : f32 to vector<16xf32>
    %add3A_449 = arith.addf %add3A_448, %mul3A_447 : vector<16xf32>
    %mul3A_450 = arith.mulf %get3A_445, %get3A_442 : vector<16xf32>
    %mul3A_451 = vector.broadcast %squeeze3A_40 : f32 to vector<16xf32>
    %mul3A_452 = arith.mulf %mul3A_451, %mul3A_450 : vector<16xf32>
    %add3A_453 = arith.addf %add3A_449, %mul3A_452 : vector<16xf32>
    %swap3A_454 = arith.constant 352 : index
    %swap3A_455 = tpu.vector_load %arg10[%swap3A_454] {strides = array<i32>} : memref<512xf32, #tpu.memory_space<vmem>>, vector<16xf32>,
    %swap3A_456 = vector.shape_cast %swap3A_455 : vector<16xf32> to vector<16xf32>
    %swap3A_457 = vector.shape_cast %add3A_453 : vector<16xf32> to vector<16xf32>
    tpu.vector_store %arg10[%swap3A_454], %swap3A_457 {strides = array<i32>} : memref<512xf32, #tpu.memory_space<vmem>>, vector<16xf32>,
    %get3A_458 = arith.constant 368 : index
    %get3A_459 = tpu.vector_load %arg8[%get3A_458] {strides = array<i32>} : memref<512xf32, #tpu.memory_space<vmem>>, vector<16xf32>,
    %get3A_460 = vector.shape_cast %get3A_459 : vector<16xf32> to vector<16xf32>
    %get3A_461 = arith.constant 368 : index
    %get3A_462 = tpu.vector_load %arg9[%get3A_461] {strides = array<i32>} : memref<512xf32, #tpu.memory_space<vmem>>, vector<16xf32>,
    %get3A_463 = vector.shape_cast %get3A_462 : vector<16xf32> to vector<16xf32>
    %mul3A_464 = vector.broadcast %squeeze3A_35 : f32 to vector<16xf32>
    %mul3A_465 = arith.mulf %mul3A_464, %get3A_460 : vector<16xf32>
    %add3A_466 = vector.broadcast %squeeze3A : f32 to vector<16xf32>
    %add3A_467 = arith.addf %add3A_466, %mul3A_465 : vector<16xf32>
    %mul3A_468 = arith.mulf %get3A_463, %get3A_460 : vector<16xf32>
    %mul3A_469 = vector.broadcast %squeeze3A_40 : f32 to vector<16xf32>
    %mul3A_470 = arith.mulf %mul3A_469, %mul3A_468 : vector<16xf32>
    %add3A_471 = arith.addf %add3A_467, %mul3A_470 : vector<16xf32>
    %swap3A_472 = arith.constant 368 : index
    %swap3A_473 = tpu.vector_load %arg10[%swap3A_472] {strides = array<i32>} : memref<512xf32, #tpu.memory_space<vmem>>, vector<16xf32>,
    %swap3A_474 = vector.shape_cast %swap3A_473 : vector<16xf32> to vector<16xf32>
    %swap3A_475 = vector.shape_cast %add3A_471 : vector<16xf32> to vector<16xf32>
    tpu.vector_store %arg10[%swap3A_472], %swap3A_475 {strides = array<i32>} : memref<512xf32, #tpu.memory_space<vmem>>, vector<16xf32>,
    %get3A_476 = arith.constant 384 : index
    %get3A_477 = tpu.vector_load %arg8[%get3A_476] {strides = array<i32>} : memref<512xf32, #tpu.memory_space<vmem>>, vector<16xf32>,
    %get3A_478 = vector.shape_cast %get3A_477 : vector<16xf32> to vector<16xf32>
    %get3A_479 = arith.constant 384 : index
    %get3A_480 = tpu.vector_load %arg9[%get3A_479] {strides = array<i32>} : memref<512xf32, #tpu.memory_space<vmem>>, vector<16xf32>,
    %get3A_481 = vector.shape_cast %get3A_480 : vector<16xf32> to vector<16xf32>
    %mul3A_482 = vector.broadcast %squeeze3A_35 : f32 to vector<16xf32>
    %mul3A_483 = arith.mulf %mul3A_482, %get3A_478 : vector<16xf32>
    %add3A_484 = vector.broadcast %squeeze3A : f32 to vector<16xf32>
    %add3A_485 = arith.addf %add3A_484, %mul3A_483 : vector<16xf32>
    %mul3A_486 = arith.mulf %get3A_481, %get3A_478 : vector<16xf32>
    %mul3A_487 = vector.broadcast %squeeze3A_40 : f32 to vector<16xf32>
    %mul3A_488 = arith.mulf %mul3A_487, %mul3A_486 : vector<16xf32>
    %add3A_489 = arith.addf %add3A_485, %mul3A_488 : vector<16xf32>
    %swap3A_490 = arith.constant 384 : index
    %swap3A_491 = tpu.vector_load %arg10[%swap3A_490] {strides = array<i32>} : memref<512xf32, #tpu.memory_space<vmem>>, vector<16xf32>,
    %swap3A_492 = vector.shape_cast %swap3A_491 : vector<16xf32> to vector<16xf32>
    %swap3A_493 = vector.shape_cast %add3A_489 : vector<16xf32> to vector<16xf32>
    tpu.vector_store %arg10[%swap3A_490], %swap3A_493 {strides = array<i32>} : memref<512xf32, #tpu.memory_space<vmem>>, vector<16xf32>,
    %get3A_494 = arith.constant 400 : index
    %get3A_495 = tpu.vector_load %arg8[%get3A_494] {strides = array<i32>} : memref<512xf32, #tpu.memory_space<vmem>>, vector<16xf32>,
    %get3A_496 = vector.shape_cast %get3A_495 : vector<16xf32> to vector<16xf32>
    %get3A_497 = arith.constant 400 : index
    %get3A_498 = tpu.vector_load %arg9[%get3A_497] {strides = array<i32>} : memref<512xf32, #tpu.memory_space<vmem>>, vector<16xf32>,
    %get3A_499 = vector.shape_cast %get3A_498 : vector<16xf32> to vector<16xf32>
    %mul3A_500 = vector.broadcast %squeeze3A_35 : f32 to vector<16xf32>
    %mul3A_501 = arith.mulf %mul3A_500, %get3A_496 : vector<16xf32>
    %add3A_502 = vector.broadcast %squeeze3A : f32 to vector<16xf32>
    %add3A_503 = arith.addf %add3A_502, %mul3A_501 : vector<16xf32>
    %mul3A_504 = arith.mulf %get3A_499, %get3A_496 : vector<16xf32>
    %mul3A_505 = vector.broadcast %squeeze3A_40 : f32 to vector<16xf32>
    %mul3A_506 = arith.mulf %mul3A_505, %mul3A_504 : vector<16xf32>
    %add3A_507 = arith.addf %add3A_503, %mul3A_506 : vector<16xf32>
    %swap3A_508 = arith.constant 400 : index
    %swap3A_509 = tpu.vector_load %arg10[%swap3A_508] {strides = array<i32>} : memref<512xf32, #tpu.memory_space<vmem>>, vector<16xf32>,
    %swap3A_510 = vector.shape_cast %swap3A_509 : vector<16xf32> to vector<16xf32>
    %swap3A_511 = vector.shape_cast %add3A_507 : vector<16xf32> to vector<16xf32>
    tpu.vector_store %arg10[%swap3A_508], %swap3A_511 {strides = array<i32>} : memref<512xf32, #tpu.memory_space<vmem>>, vector<16xf32>,
    %get3A_512 = arith.constant 416 : index
    %get3A_513 = tpu.vector_load %arg8[%get3A_512] {strides = array<i32>} : memref<512xf32, #tpu.memory_space<vmem>>, vector<16xf32>,
    %get3A_514 = vector.shape_cast %get3A_513 : vector<16xf32> to vector<16xf32>
    %get3A_515 = arith.constant 416 : index
    %get3A_516 = tpu.vector_load %arg9[%get3A_515] {strides = array<i32>} : memref<512xf32, #tpu.memory_space<vmem>>, vector<16xf32>,
    %get3A_517 = vector.shape_cast %get3A_516 : vector<16xf32> to vector<16xf32>
    %mul3A_518 = vector.broadcast %squeeze3A_35 : f32 to vector<16xf32>
    %mul3A_519 = arith.mulf %mul3A_518, %get3A_514 : vector<16xf32>
    %add3A_520 = vector.broadcast %squeeze3A : f32 to vector<16xf32>
    %add3A_521 = arith.addf %add3A_520, %mul3A_519 : vector<16xf32>
    %mul3A_522 = arith.mulf %get3A_517, %get3A_514 : vector<16xf32>
    %mul3A_523 = vector.broadcast %squeeze3A_40 : f32 to vector<16xf32>
    %mul3A_524 = arith.mulf %mul3A_523, %mul3A_522 : vector<16xf32>
    %add3A_525 = arith.addf %add3A_521, %mul3A_524 : vector<16xf32>
    %swap3A_526 = arith.constant 416 : index
    %swap3A_527 = tpu.vector_load %arg10[%swap3A_526] {strides = array<i32>} : memref<512xf32, #tpu.memory_space<vmem>>, vector<16xf32>,
    %swap3A_528 = vector.shape_cast %swap3A_527 : vector<16xf32> to vector<16xf32>
    %swap3A_529 = vector.shape_cast %add3A_525 : vector<16xf32> to vector<16xf32>
    tpu.vector_store %arg10[%swap3A_526], %swap3A_529 {strides = array<i32>} : memref<512xf32, #tpu.memory_space<vmem>>, vector<16xf32>,
    %get3A_530 = arith.constant 432 : index
    %get3A_531 = tpu.vector_load %arg8[%get3A_530] {strides = array<i32>} : memref<512xf32, #tpu.memory_space<vmem>>, vector<16xf32>,
    %get3A_532 = vector.shape_cast %get3A_531 : vector<16xf32> to vector<16xf32>
    %get3A_533 = arith.constant 432 : index
    %get3A_534 = tpu.vector_load %arg9[%get3A_533] {strides = array<i32>} : memref<512xf32, #tpu.memory_space<vmem>>, vector<16xf32>,
    %get3A_535 = vector.shape_cast %get3A_534 : vector<16xf32> to vector<16xf32>
    %mul3A_536 = vector.broadcast %squeeze3A_35 : f32 to vector<16xf32>
    %mul3A_537 = arith.mulf %mul3A_536, %get3A_532 : vector<16xf32>
    %add3A_538 = vector.broadcast %squeeze3A : f32 to vector<16xf32>
    %add3A_539 = arith.addf %add3A_538, %mul3A_537 : vector<16xf32>
    %mul3A_540 = arith.mulf %get3A_535, %get3A_532 : vector<16xf32>
    %mul3A_541 = vector.broadcast %squeeze3A_40 : f32 to vector<16xf32>
    %mul3A_542 = arith.mulf %mul3A_541, %mul3A_540 : vector<16xf32>
    %add3A_543 = arith.addf %add3A_539, %mul3A_542 : vector<16xf32>
    %swap3A_544 = arith.constant 432 : index
    %swap3A_545 = tpu.vector_load %arg10[%swap3A_544] {strides = array<i32>} : memref<512xf32, #tpu.memory_space<vmem>>, vector<16xf32>,
    %swap3A_546 = vector.shape_cast %swap3A_545 : vector<16xf32> to vector<16xf32>
    %swap3A_547 = vector.shape_cast %add3A_543 : vector<16xf32> to vector<16xf32>
    tpu.vector_store %arg10[%swap3A_544], %swap3A_547 {strides = array<i32>} : memref<512xf32, #tpu.memory_space<vmem>>, vector<16xf32>,
    %get3A_548 = arith.constant 448 : index
    %get3A_549 = tpu.vector_load %arg8[%get3A_548] {strides = array<i32>} : memref<512xf32, #tpu.memory_space<vmem>>, vector<16xf32>,
    %get3A_550 = vector.shape_cast %get3A_549 : vector<16xf32> to vector<16xf32>
    %get3A_551 = arith.constant 448 : index
    %get3A_552 = tpu.vector_load %arg9[%get3A_551] {strides = array<i32>} : memref<512xf32, #tpu.memory_space<vmem>>, vector<16xf32>,
    %get3A_553 = vector.shape_cast %get3A_552 : vector<16xf32> to vector<16xf32>
    %mul3A_554 = vector.broadcast %squeeze3A_35 : f32 to vector<16xf32>
    %mul3A_555 = arith.mulf %mul3A_554, %get3A_550 : vector<16xf32>
    %add3A_556 = vector.broadcast %squeeze3A : f32 to vector<16xf32>
    %add3A_557 = arith.addf %add3A_556, %mul3A_555 : vector<16xf32>
    %mul3A_558 = arith.mulf %get3A_553, %get3A_550 : vector<16xf32>
    %mul3A_559 = vector.broadcast %squeeze3A_40 : f32 to vector<16xf32>
    %mul3A_560 = arith.mulf %mul3A_559, %mul3A_558 : vector<16xf32>
    %add3A_561 = arith.addf %add3A_557, %mul3A_560 : vector<16xf32>
    %swap3A_562 = arith.constant 448 : index
    %swap3A_563 = tpu.vector_load %arg10[%swap3A_562] {strides = array<i32>} : memref<512xf32, #tpu.memory_space<vmem>>, vector<16xf32>,
    %swap3A_564 = vector.shape_cast %swap3A_563 : vector<16xf32> to vector<16xf32>
    %swap3A_565 = vector.shape_cast %add3A_561 : vector<16xf32> to vector<16xf32>
    tpu.vector_store %arg10[%swap3A_562], %swap3A_565 {strides = array<i32>} : memref<512xf32, #tpu.memory_space<vmem>>, vector<16xf32>,
    %get3A_566 = arith.constant 464 : index
    %get3A_567 = tpu.vector_load %arg8[%get3A_566] {strides = array<i32>} : memref<512xf32, #tpu.memory_space<vmem>>, vector<16xf32>,
    %get3A_568 = vector.shape_cast %get3A_567 : vector<16xf32> to vector<16xf32>
    %get3A_569 = arith.constant 464 : index
    %get3A_570 = tpu.vector_load %arg9[%get3A_569] {strides = array<i32>} : memref<512xf32, #tpu.memory_space<vmem>>, vector<16xf32>,
    %get3A_571 = vector.shape_cast %get3A_570 : vector<16xf32> to vector<16xf32>
    %mul3A_572 = vector.broadcast %squeeze3A_35 : f32 to vector<16xf32>
    %mul3A_573 = arith.mulf %mul3A_572, %get3A_568 : vector<16xf32>
    %add3A_574 = vector.broadcast %squeeze3A : f32 to vector<16xf32>
    %add3A_575 = arith.addf %add3A_574, %mul3A_573 : vector<16xf32>
    %mul3A_576 = arith.mulf %get3A_571, %get3A_568 : vector<16xf32>
    %mul3A_577 = vector.broadcast %squeeze3A_40 : f32 to vector<16xf32>
    %mul3A_578 = arith.mulf %mul3A_577, %mul3A_576 : vector<16xf32>
    %add3A_579 = arith.addf %add3A_575, %mul3A_578 : vector<16xf32>
    %swap3A_580 = arith.constant 464 : index
    %swap3A_581 = tpu.vector_load %arg10[%swap3A_580] {strides = array<i32>} : memref<512xf32, #tpu.memory_space<vmem>>, vector<16xf32>,
    %swap3A_582 = vector.shape_cast %swap3A_581 : vector<16xf32> to vector<16xf32>
    %swap3A_583 = vector.shape_cast %add3A_579 : vector<16xf32> to vector<16xf32>
    tpu.vector_store %arg10[%swap3A_580], %swap3A_583 {strides = array<i32>} : memref<512xf32, #tpu.memory_space<vmem>>, vector<16xf32>,
    %get3A_584 = arith.constant 480 : index
    %get3A_585 = tpu.vector_load %arg8[%get3A_584] {strides = array<i32>} : memref<512xf32, #tpu.memory_space<vmem>>, vector<16xf32>,
    %get3A_586 = vector.shape_cast %get3A_585 : vector<16xf32> to vector<16xf32>
    %get3A_587 = arith.constant 480 : index
    %get3A_588 = tpu.vector_load %arg9[%get3A_587] {strides = array<i32>} : memref<512xf32, #tpu.memory_space<vmem>>, vector<16xf32>,
    %get3A_589 = vector.shape_cast %get3A_588 : vector<16xf32> to vector<16xf32>
    %mul3A_590 = vector.broadcast %squeeze3A_35 : f32 to vector<16xf32>
    %mul3A_591 = arith.mulf %mul3A_590, %get3A_586 : vector<16xf32>
    %add3A_592 = vector.broadcast %squeeze3A : f32 to vector<16xf32>
    %add3A_593 = arith.addf %add3A_592, %mul3A_591 : vector<16xf32>
    %mul3A_594 = arith.mulf %get3A_589, %get3A_586 : vector<16xf32>
    %mul3A_595 = vector.broadcast %squeeze3A_40 : f32 to vector<16xf32>
    %mul3A_596 = arith.mulf %mul3A_595, %mul3A_594 : vector<16xf32>
    %add3A_597 = arith.addf %add3A_593, %mul3A_596 : vector<16xf32>
    %swap3A_598 = arith.constant 480 : index
    %swap3A_599 = tpu.vector_load %arg10[%swap3A_598] {strides = array<i32>} : memref<512xf32, #tpu.memory_space<vmem>>, vector<16xf32>,
    %swap3A_600 = vector.shape_cast %swap3A_599 : vector<16xf32> to vector<16xf32>
    %swap3A_601 = vector.shape_cast %add3A_597 : vector<16xf32> to vector<16xf32>
    tpu.vector_store %arg10[%swap3A_598], %swap3A_601 {strides = array<i32>} : memref<512xf32, #tpu.memory_space<vmem>>, vector<16xf32>,
    %get3A_602 = arith.constant 496 : index
    %get3A_603 = tpu.vector_load %arg8[%get3A_602] {strides = array<i32>} : memref<512xf32, #tpu.memory_space<vmem>>, vector<16xf32>,
    %get3A_604 = vector.shape_cast %get3A_603 : vector<16xf32> to vector<16xf32>
    %get3A_605 = arith.constant 496 : index
    %get3A_606 = tpu.vector_load %arg9[%get3A_605] {strides = array<i32>} : memref<512xf32, #tpu.memory_space<vmem>>, vector<16xf32>,
    %get3A_607 = vector.shape_cast %get3A_606 : vector<16xf32> to vector<16xf32>
    %mul3A_608 = vector.broadcast %squeeze3A_35 : f32 to vector<16xf32>
    %mul3A_609 = arith.mulf %mul3A_608, %get3A_604 : vector<16xf32>
    %add3A_610 = vector.broadcast %squeeze3A : f32 to vector<16xf32>
    %add3A_611 = arith.addf %add3A_610, %mul3A_609 : vector<16xf32>
    %mul3A_612 = arith.mulf %get3A_607, %get3A_604 : vector<16xf32>
    %mul3A_613 = vector.broadcast %squeeze3A_40 : f32 to vector<16xf32>
    %mul3A_614 = arith.mulf %mul3A_613, %mul3A_612 : vector<16xf32>
    %add3A_615 = arith.addf %add3A_611, %mul3A_614 : vector<16xf32>
    %swap3A_616 = arith.constant 496 : index
    %swap3A_617 = tpu.vector_load %arg10[%swap3A_616] {strides = array<i32>} : memref<512xf32, #tpu.memory_space<vmem>>, vector<16xf32>,
    %swap3A_618 = vector.shape_cast %swap3A_617 : vector<16xf32> to vector<16xf32>
    %swap3A_619 = vector.shape_cast %add3A_615 : vector<16xf32> to vector<16xf32>
    tpu.vector_store %arg10[%swap3A_616], %swap3A_619 {strides = array<i32>} : memref<512xf32, #tpu.memory_space<vmem>>, vector<16xf32>,
    "tpu.region"() ({
      %run_scoped3A = tpu.sem_alloc : memref<!tpu.dma_semaphore, #tpu.memory_space<semaphore_mem>>
      %dma_start3A_620 = tpu.memref_slice %arg7[%mul3A_2] : memref<16384xf32, #tpu.memory_space<hbm>> -> memref<512xf32, #tpu.memory_space<hbm>>
      %dma_start3A_621 = tpu.memref_slice %arg7[%mul3A_2] : memref<16384xf32, #tpu.memory_space<hbm>> -> memref<512xf32, #tpu.memory_space<hbm>>
      tpu.enqueue_dma source(%arg10 : memref<512xf32, #tpu.memory_space<vmem>>) target(%dma_start3A_621 : memref<512xf32, #tpu.memory_space<hbm>>) target_semaphore(%run_scoped3A : memref<!tpu.dma_semaphore, #tpu.memory_space<semaphore_mem>>)
      %dma_wait3A_622 = tpu.memref_slice %arg7[%mul3A_2] : memref<16384xf32, #tpu.memory_space<hbm>> -> memref<512xf32, #tpu.memory_space<hbm>>
      %dma_wait3A_623 = tpu.memref_slice %arg7[%mul3A_2] : memref<16384xf32, #tpu.memory_space<hbm>> -> memref<512xf32, #tpu.memory_space<hbm>>
      tpu.wait_dma2 semaphore(%run_scoped3A : memref<!tpu.dma_semaphore, #tpu.memory_space<semaphore_mem>>) src(%arg10 : memref<512xf32, #tpu.memory_space<vmem>>) dst(%dma_wait3A_623 : memref<512xf32, #tpu.memory_space<hbm>>)
      tpu.yield
    }) : () -> ()
    return
  }
}

</mosaic_0001>

<sc_bundles>
// kernel: kernel.3.cloned.1.call-start
scs
__scs_entry_jumppad:
0x0: {  	(pc) =	sbr.rel $0x88, $3  }
0x1: {  	(tag) =	ssettag $0x0;
	lr =	simm.s32 $0x1  }
0x2: {  	[smem:$0x3F9C] =	sst lr;
	_ =	strace $0xD0000000  }
0x3: {  	_ = 	snop  }
0x4: {  	_ = 	snop  }
0x5: {  	_ = 	snop  }
0x6: {  	_ = 	snop  }
0x7: {  	_ = 	snop  }
__scs_overlays_trampoline_lowered:
0x8: {  	[smem:$0x3FAB] =	sst s0  }
0x9: {  	[smem:$0x3FAC] =	sst s1  }
0xa: {  	[smem:$0x3FAD] =	sst s2  }
0xb: {  	[smem:$0x3FAE] =	sst s3  }
0xc: {  	[smem:$0x3FAF] =	sst s4  }
0xd: {  	[smem:$0x3FB0] =	sst s5  }
0xe: {  	[smem:$0x3FB1] =	sst s6  }
0xf: {  	[smem:$0x3FB2] =	sst s7  }
0x10: {  	[smem:$0x3FB3] =	sst s8  }
0x11: {  	[smem:$0x3FB4] =	sst s9;
	s0 =	simm.s32 @!p0 $0x0  }
0x12: {  	s1 =	sld [smem:$0x3F9A];
	s0 =	simm.s32 @p0 $0x1  }
0x13: {  	[smem:$0x3FB5] =	sst s0;
	s0 =	simm.s32 @!p1 $0x0  }
0x14: {  	s2 =	sld [smem:$0x3F99];
	s0 =	simm.s32 @p1 $0x1  }
0x15: {  	[smem:$0x3FB6] =	sst s0;
	s0 =	simm.s32 @!p2 $0x0  }
0x16: {  	s3 =	sld [smem:$0x3FDB];
	s0 =	simm.s32 @p2 $0x1  }
0x17: {  	s4 =	simm.s32 $0x1BF5;
	[smem:$0x3FB8] =	sst s0  }
0x18: {  	s0 =	sld [smem:$0x3F9B];
	_ =	swait.ge [sflag:s4], $0x0  }
0x19: {  	s7 =	sld [smem:$0x3F9C]  }
0x1a: {  	s8 =	sadd.s32 $0xFFFFE003, lr  }
0x1b: {  	s9 =	sadd.s32 $0xFFFFFEF7, lr;
	s5 =	simm.s32 $0xFFFFFFFF;
	p2 =	slt.u32 s8, $0xFFFFF086  }
0x1c: {  	p1 =	slt.u32 s9, $0xF7A;
	s5 =	simm.s32 @!p2 $0x0  }
0x1d: {  	s5 =	simm.s32 @p1 $0x1;
	p0 =	seq.s32 s7, s2  }
0x1e: {  	s7 =	smul.u32 @!p0 $0xF7A, s2;
	p2 =	seq.s32 @!p0 s5, $0x0  }
0x1f: {  	s9 =	smul.u32 $0xF7A, s1;
	s8 =	simm.s32 @!p0 $0x1BF5;
	p2 =	por !p2, p0  }
0x20: {  	[sflag:s8] =	ssyncset.s32 @!p0 $0xFFFFF086;
	s6 =	sadd.s32 @!p0 s3, s7;
	s7 =	simm.s32 @!p0 $0x108  }
0x21: {  	s3 =	sadd.s32 s3, s9;
	s6 =	sadd.s32 @!p0 $0x88, s6;
	s7 =	simm.s32 @p2 $0x1082  }
0x22: {  	[simem:s7], [sflag:s8] =	dma.local @!p0 [hbm:s6], $0xF7A  }
0x23: {  	s9 =	sor.u32 $0xD0000000, s2;
	s6 =	simm.s32 $0x108;
	_ =	swait.ge @!p0 [sflag:s8], $0x0  }
0x24: {  	s3 =	sadd.s32 $0x88, s3;
	s6 =	simm.s32 @!p1 $0x1082;
	[sflag:s4] =	ssyncset.s32 $0xFFFFF086  }
0x25: {  	[simem:s6], [sflag:s4] =	dma.local [hbm:s3], $0xF7A  }
0x26: {  	[smem:$0x3F9C] =	sst s1;
	(tag) =	ssettag s2;
	_ =	strace s9  }
0x27: {  	s1 =	sld [smem:$0x3FAC]  }
0x28: {  	s2 =	sld [smem:$0x3FAD]  }
0x29: {  	s4 =	sld [smem:$0x3FAF]  }
0x2a: {  	p0 =	seq.s32 s5, $0x0;
	s5 =	sld [smem:$0x3FB0]  }
0x2b: {  	s6 =	sld [smem:$0x3FB1]  }
0x2c: {  	s7 =	sld [smem:$0x3FB2]  }
0x2d: {  	s3 =	simm.s32 $0x108;
	s8 =	sld [smem:$0x3FB3]  }
0x2e: {  	s3 =	simm.s32 @!p0 $0x1082;
	s9 =	sld [smem:$0x3FB4]  }
0x2f: {  	lr =	sadd.s32 s0, s3;
	s0 =	sld [smem:$0x3FAB]  }
0x30: {  	s3 =	sld [smem:$0x3FAE]  }
0x31: {  	[smem:$0x3FB7] =	sst s10  }
0x32: {  	s10 =	sld [smem:$0x3FB5];
	_ =	sdelay $0x3  }
0x33: {  	p0 =	seq.s32 s10, $0x1;
	s10 =	sld [smem:$0x3FB7];
	_ =	sdelay $0x3  }
0x34: {  	[smem:$0x3FB7] =	sst s10  }
0x35: {  	s10 =	sld [smem:$0x3FB6];
	_ =	sdelay $0x3  }
0x36: {  	p1 =	seq.s32 s10, $0x1;
	s10 =	sld [smem:$0x3FB7];
	_ =	sdelay $0x3  }
0x37: {  	[smem:$0x3FB7] =	sst s10  }
0x38: {  	s10 =	sld [smem:$0x3FB8]  }
0x39: {  	_ = 	snop;
	(pc) =	sbr.ind lr, $3  }
0x3a: {  	_ = 	snop  }
0x3b: {  	_ = 	snop  }
0x3c: {  	p2 =	seq.s32 s10, $0x1;
	s10 =	sld [smem:$0x3FB7]  }
0x3d: {  	_ =	shalt  }
0x3e: {  	_ =	shalt  }
0x3f: {  	_ =	shalt  }
0x40: {  	_ =	shalt  }
0x41: {  	_ =	shalt  }
0x42: {  	_ =	shalt  }
0x43: {  	_ =	shalt  }
0x44: {  	_ =	shalt  }
0x45: {  	_ =	shalt  }
0x46: {  	_ =	shalt  }
0x47: {  	_ =	shalt  }
0x48: {  	_ =	shalt  }
0x49: {  	_ =	shalt  }
0x4a: {  	_ =	shalt  }
0x4b: {  	_ =	shalt  }
0x4c: {  	_ =	shalt  }
0x4d: {  	_ =	shalt  }
0x4e: {  	_ =	shalt  }
0x4f: {  	_ =	shalt  }
0x50: {  	_ =	shalt  }
0x51: {  	_ =	shalt  }
0x52: {  	_ =	shalt  }
0x53: {  	_ =	shalt  }
0x54: {  	_ =	shalt  }
0x55: {  	_ =	shalt  }
0x56: {  	_ =	shalt  }
0x57: {  	_ =	shalt  }
0x58: {  	_ =	shalt  }
0x59: {  	_ =	shalt  }
0x5a: {  	_ =	shalt  }
0x5b: {  	_ =	shalt  }
0x5c: {  	_ =	shalt  }
0x5d: {  	_ =	shalt  }
0x5e: {  	_ =	shalt  }
0x5f: {  	_ =	shalt  }
0x60: {  	_ =	shalt  }
0x61: {  	_ =	shalt  }
0x62: {  	_ =	shalt  }
0x63: {  	_ =	shalt  }
0x64: {  	_ =	shalt  }
0x65: {  	_ =	shalt  }
0x66: {  	_ =	shalt  }
0x67: {  	_ =	shalt  }
0x68: {  	_ =	shalt  }
0x69: {  	_ =	shalt  }
0x6a: {  	_ =	shalt  }
0x6b: {  	_ =	shalt  }
0x6c: {  	_ =	shalt  }
0x6d: {  	_ =	shalt  }
0x6e: {  	_ =	shalt  }
0x6f: {  	_ =	shalt  }
0x70: {  	_ =	shalt  }
0x71: {  	_ =	shalt  }
0x72: {  	_ =	shalt  }
0x73: {  	_ =	shalt  }
0x74: {  	_ =	shalt  }
0x75: {  	_ =	shalt  }
0x76: {  	_ =	shalt  }
0x77: {  	_ =	shalt  }
0x78: {  	_ =	shalt  }
0x79: {  	_ =	shalt  }
0x7a: {  	_ =	shalt  }
0x7b: {  	_ =	shalt  }
0x7c: {  	_ =	shalt  }
0x7d: {  	_ =	shalt  }
0x7e: {  	_ =	shalt  }
0x7f: {  	_ =	shalt  }
0x80: {  	_ =	shalt  }
0x81: {  	_ =	shalt  }
0x82: {  	_ =	shalt  }
0x83: {  	_ =	shalt  }
0x84: {  	_ =	shalt  }
0x85: {  	_ =	shalt  }
0x86: {  	_ =	shalt  }
0x87: {  	_ =	shalt  }
.Lfunc_end0:
.L_simem_size_0:
called_computation_lowered:
.L_overlay_start_0:
0x88: {  	s2 =	sld [smem:$0x3FD9]  }
0x89: {  	s3 =	sld [smem:$0x3FFE];
	_ =	sdelay $0x1  }
0x8a: {  	s1 =	srdreg.scid  }
0x8b: {  	s0 =	sand.u32 $0x1, s1  }
0x8c: {  	s18 =	sshll.u32 s0, $0xA;
	s2 =	sadd.s32 s3, s2  }
0x8d: {  	s2 =	sadd.s32 s2, s18  }
0x8e: {  	[smem:$0x3FC3] =	sst s2  }
0x8f: {  	_ = 	snop  }
0x90: {  	s2 =	sld [smem:$0x3FC9]  }
0x91: {  	s19 =	sld [smem:$0x3FC8]  }
0x92: {  	s4 =	sld [smem:$0x3FC7]  }
0x93: {  	s5 =	sld [smem:$0x3FC6]  }
0x94: {  	s6 =	sld [smem:$0x3FC5]  }
0x95: {  	s7 =	sld [smem:$0x3FD0];
	(tm) =	ssettm $0x1  }
0x96: {  	s8 =	sld [smem:$0x3FFB];
	_ =	sdelay $0x3  }
0x97: {  	_ =	strace s8  }
0x98: {  	s8 =	sld [smem:$0x3FFC];
	_ =	sdelay $0x3  }
0x99: {  	_ =	strace s8  }
0x9a: {  	s8 =	sld [smem:$0x3FFD];
	_ =	sdelay $0x3  }
0x9b: {  	_ =	strace s8  }
0x9c: {  	_ =	strace $0x8FFFFFFF  }
0x9d: {  	s20 =	sld [smem:$0x3FDB];
	_ =	sdelay $0x1  }
0x9e: {  	s9 =	simm.s32 $_scs_section_size  }
0x9f: {  	s10 =	simm.s32 $_size__tile_overlayer_lowered;
	s11 =	simm.s32 $_tile_overlayer_lowered  }
0xa0: {  	s23 =	simm.s32 $0x1BFF;
	s22 =	sshll.u32 s11, $0x1;
	s8 =	sadd.s32 s9, s20  }
0xa1: {  	s12 =	simm.s32 $0x0;
	s21 =	sshll.u32 s10, $0x1;
	s10 =	sadd.s32 s22, s8  }
0xa2: {  	[timem:s12], [sflag:s23] =	dma.local [hbm:s10], s21  }
0xa3: {  	_ =	swait.ge [sflag:s23], s21  }
0xa4: {  	s9 =	ssub.s32 $0x0, s21;
	[sflag:s23] =	ssyncset.done $0x0  }
0xa5: {  	[sflag:s23] =	ssyncadd.s32 s9;
	_ =	sdelay $0x1  }
0xa6: {  	s24 =	simm.s32 $0x1B8B  }
0xa7: {  	_ =	swait.ge [sflag:s24], $0x1  }
0xa8: {  	[sflag:s24] =	ssyncset.done $0x0  }
0xa9: {  	s25 =	simm.s32 $0x1B8E;
	[sflag:s24] =	ssyncadd.s32 $0xFFFFFFFF  }
0xaa: {  	s26 =	simm.s32 $execute0_lowered;
	[smem:$0x3FD2] =	sst s25  }
0xab: {  	s9 =	sshll.u32 s26, $0x1;
	_ =	strace $0x80000046;
	[dreg:$0x1] =	wrdreg $0xFFFFFFFF  }
0xac: {  	s28 =	simm.s32 $_size_execute0_lowered;
	s8 =	sadd.s32 s8, s9;
	[dreg:$0x0] =	wrdreg $0x0  }
0xad: {  	s9 =	sshll.u32 s28, $0x1;
	[dreg:$0x2] =	wrdreg s8  }
0xae: {  	[dreg:$0x3] =	wrdreg s9  }
0xaf: {  	[dreg:$0x4] =	wrdreg $0xC0  }
0xb0: {  	_ =	task [dreg:s12], $0x5FFFF  }
0xb1: {  	[dreg:$0x1] =	wrdreg $0xFFFFFFFF  }
0xb2: {  	[dreg:$0x0] =	wrdreg $0x60  }
0xb3: {  	[dreg:$0x2] =	wrdreg s2  }
0xb4: {  	[dreg:$0x3] =	wrdreg s19  }
0xb5: {  	[dreg:$0x4] =	wrdreg s4  }
0xb6: {  	[dreg:$0x5] =	wrdreg s5  }
0xb7: {  	[dreg:$0x6] =	wrdreg s6  }
0xb8: {  	[dreg:$0x7] =	wrdreg s7  }
0xb9: {  	[dreg:$0x8] =	wrdreg $0x9  }
0xba: {  	_ =	task.clear_ibuf [dreg:s12], $0x9FFFF;
	_ =	strace $0x90000046  }
0xbb: {  	s29 =	simm.s32 $0x9;
	_ =	strace $0x80000048  }
0xbc: {  	_ =	swait.ge [sflag:s29], $0x1  }
0xbd: {  	[sflag:s29] =	ssyncadd.s32 $0xFFFFFFFF  }
0xbe: {  	_ =	strace $0x90000048  }
0xbf: {  	_ =	sfence  }
0xc0: {  	s30 =	sld [smem:$0x0];
	_ =	sdelay $0x2  }
0xc1: {  	s31 =	sshll.u32 s1, $0xD;
	s1 =	sshrl.u32 s1, $0x2  }
0xc2: {  	s3 =	sand.u32 $0x4000, s31;
	s1 =	sadd.s32 s1, s30  }
0xc3: {  	s0 =	sor.u32 s3, s0;
	s1 =	sshll.u32 s1, $0x11  }
0xc4: {  	s0 =	sor.u32 s1, s0  }
0xc5: {  	s0 =	sadd.s32 $0x8F2B, s0  }
0xc6: {  	[sflag:s0] =	ssyncadd.remote.s32 $0x1  }
0xc7: {  	_ =	sfence.sel $0xFFFF  }
0xc8: {  	[dreg:$0x0] =	wrdreg $0xFFFFFFFF;
	(pc) =	sbr.abs _section_cstart, $3  }
0xc9: {  	[dreg:$0x1] =	wrdreg $0xFFFFFFFF  }
0xca: {  	_ =	task.clear_ibuf [dreg:s12], $0x2FFFF;
	_ =	strace $0x9FFFFFFF  }
0xcb: {  	(tm) =	ssettm $0x7FFFFFFF  }
tec
execute0_lowered:
.L_overlay_start_1:
0x0: {  	(tag) =	ssettag $0x1  }
0x1: {  	s6 =	rddreg [dreg:$0x0]  }
0x2: {  	s7 =	rddreg [dreg:$0x1]  }
0x3: {  	s1 =	rddreg [dreg:$0x2]  }
0x4: {  	s2 =	rddreg [dreg:$0x3]  }
0x5: {  	s3 =	rddreg [dreg:$0x4]  }
0x6: {  	s8 =	rddreg [dreg:$0x5]  }
0x7: {  	s0 =	rddreg [dreg:$0x6];
	s9 =	srdreg.scid  }
0x8: {  	s5 =	simm.s32 $0x0;
	s4 =	stileid.u32;
	s13 =	simm.s32 $0x700  }
0x9: {  	s14 =	simm.s32 $0x3;
	s15 =	simm.s32 $0x1;
	s16 =	simm.s32 $0x2  }
0xa: {  	s17 =	simm.s32 $0x400;
	s18 =	simm.s32 $0x4;
	s9 =	sand.u32 $0x1, s9  }
0xb: {  	s11 =	sshll.u32 s4, $0x7;
	[smem:$0x7FF] =	sst s5;
	s10 =	ssub.s32 $0x2, s9  }
0xc: {  	s9 =	sshll.u32 s9, $0x6;
	_ =	strace $0x80000047;
	s12 =	sshrl.u32 s10, $0x1  }
0xd: {  	s9 =	sor.u32 s9, s11;
	s11 =	simm.s32 $0x600;
	s10 =	ssub.s32 s10, s12  }
0xe: {  	s6 =	sadd.s32 s6, s9;
	s7 =	sadd.s32 s7, s9;
	s8 =	sadd.s32 s8, s9  }
0xf: {  	s12 =	simm.s32 $0x680;
	s9 =	smax.u32 s10, $0x1;
	s10 =	simm.s32 $0x200  }
.LBB2_1:
0x10: {  	[tilespmem:s5], [sflag:$0x1] =	stream.linear.gather [hbm4b:s6+s5], $0x200, $0x38;
	[tilespmem:$0x780] =	vst v63  }
0x11: {  	_ = 	snop  }
0x12: {  	[tilespmem:s10], [sflag:$0x2] =	stream.linear.gather [hbm4b:s7+s5], $0x200, $0x38;
	[tilespmem:$0x780] =	vst v63  }
0x13: {  	_ = 	snop  }
0x14: {  	[tilespmem:s11], [sflag:$0x3] =	stream.linear.gather [hbm4b:s1+s5], $0x1, $0x38;
	[tilespmem:$0x780] =	vst v63  }
0x15: {  	_ = 	snop  }
0x16: {  	[tilespmem:s12], [sflag:$0x3] =	stream.linear.gather [hbm4b:s2+s5], $0x1, $0x38;
	[tilespmem:$0x780] =	vst v63  }
0x17: {  	_ = 	snop  }
0x18: {  	[tilespmem:s13], [sflag:$0x3] =	stream.linear.gather [hbm4b:s3+s5], $0x1, $0x38;
	[tilespmem:$0x780] =	vst v63  }
0x19: {  	_ =	swait.ge [sflag:s14], $0x1  }
0x1a: {  	[sflag:s14] =	ssyncset.done $0x0  }
0x1b: {  	[sflag:s14] =	ssyncadd.s32 $0xFFFFFFFF  }
0x1c: {  	_ =	swait.ge [sflag:s14], $0x1  }
0x1d: {  	[sflag:s14] =	ssyncset.done $0x0  }
0x1e: {  	[sflag:s14] =	ssyncadd.s32 $0xFFFFFFFF  }
0x1f: {  	_ =	swait.ge [sflag:s14], $0x1  }
0x20: {  	[sflag:s14] =	ssyncset.done $0x0  }
0x21: {  	[sflag:s14] =	ssyncadd.s32 $0xFFFFFFFF  }
0x22: {  	v2 =	vld.msk [tilespmem:$0x680 ss:$0x0], $0xffff  }
0x23: {  	v0 =	vld.msk [tilespmem:$0x600 ss:$0x0], $0xffff  }
0x24: {  	v1 =	vld.msk [tilespmem:$0x700 ss:$0x0], $0xffff;
	_ =	swait.ge [sflag:s15], $0x200  }
0x25: {  	[sflag:s15] =	ssyncset.done $0x0  }
0x26: {  	[sflag:s15] =	ssyncadd.s32 $0xFFFFFE00  }
0x27: {  	_ =	swait.ge [sflag:s16], $0x200  }
0x28: {  	[sflag:s16] =	ssyncset.done $0x0  }
0x29: {  	[sflag:s16] =	ssyncadd.s32 $0xFFFFFE00  }
0x2a: {  	v3 =	vld [tilespmem:$0x0]  }
0x2b: {  	v4 =	vld [tilespmem:$0x200]  }
0x2c: {  	v5 =	vld [tilespmem:$0x10]  }
0x2d: {  	v6 =	vld [tilespmem:$0x210]  }
0x2e: {  	v7 =	vld [tilespmem:$0x20]  }
0x2f: {  	v8 =	vld [tilespmem:$0x220]  }
0x30: {  	v9 =	vld [tilespmem:$0x30]  }
0x31: {  	v10 =	vld [tilespmem:$0x230]  }
0x32: {  	v11 =	vld [tilespmem:$0x40]  }
0x33: {  	v12 =	vld [tilespmem:$0x240]  }
0x34: {  	v13 =	vld [tilespmem:$0x50]  }
0x35: {  	v14 =	vld [tilespmem:$0x250]  }
0x36: {  	v15 =	vld [tilespmem:$0x60]  }
0x37: {  	v16 =	vld [tilespmem:$0x260]  }
0x38: {  	v17 =	vld [tilespmem:$0x70]  }
0x39: {  	v18 =	vld [tilespmem:$0x270]  }
0x3a: {  	v19 =	vld [tilespmem:$0x80]  }
0x3b: {  	v54 =	vld [tilespmem:$0x280]  }
0x3c: {  	v55 =	vld [tilespmem:$0x90]  }
0x3d: {  	v22 =	vld [tilespmem:$0x290]  }
0x3e: {  	v23 =	vld [tilespmem:$0xA0]  }
0x3f: {  	v57 =	vld [tilespmem:$0x2A0]  }
0x40: {  	v59 =	vld [tilespmem:$0xB0]  }
0x41: {  	v24 =	vld [tilespmem:$0x2B0]  }
0x42: {  	v25 =	vld [tilespmem:$0xC0]  }
0x43: {  	v61 =	vld [tilespmem:$0xD0];
	v20 =	vmul.f32 v3, v2;
	v3 =	vmul.f32 v4, v3  }
0x44: {  	v62 =	vld [tilespmem:$0x2D0];
	v21 =	vmul.f32 v5, v2;
	v5 =	vmul.f32 v6, v5  }
0x45: {  	v63 =	vld [tilespmem:$0xE0];
	v56 =	vmul.f32 v7, v2;
	v7 =	vmul.f32 v8, v7  }
0x46: {  	v33 =	vld [tilespmem:$0x2E0];
	v58 =	vmul.f32 v9, v2;
	v9 =	vmul.f32 v10, v9  }
0x47: {  	v35 =	vld [tilespmem:$0xF0];
	v12 =	vmul.f32 v12, v11;
	v14 =	vmul.f32 v14, v13  }
0x48: {  	v37 =	vld [tilespmem:$0x2F0];
	v11 =	vmul.f32 v11, v2;
	v13 =	vmul.f32 v13, v2  }
0x49: {  	v39 =	vld [tilespmem:$0x100];
	v26 =	vmul.f32 v15, v2;
	v15 =	vmul.f32 v16, v15  }
0x4a: {  	v28 =	vld [tilespmem:$0x300];
	v27 =	vmul.f32 v17, v2;
	v17 =	vmul.f32 v18, v17  }
0x4b: {  	v29 =	vld [tilespmem:$0x110];
	v36 =	vmul.f32 v19, v2;
	v4 =	vmul.f32 v54, v19  }
0x4c: {  	v41 =	vld [tilespmem:$0x310];
	v38 =	vmul.f32 v55, v2;
	v6 =	vmul.f32 v22, v55  }
0x4d: {  	v43 =	vld [tilespmem:$0x120];
	v8 =	vmul.f32 v57, v23;
	v24 =	vmul.f32 v24, v59  }
0x4e: {  	v44 =	vld [tilespmem:$0x320];
	v40 =	vmul.f32 v23, v2;
	v10 =	vmul.f32 v59, v2  }
0x4f: {  	v45 =	vld [tilespmem:$0x130];
	v30 =	vmul.f32 v25, v2;
	v31 =	vmul.f32 v61, v2  }
0x50: {  	v49 =	vld [tilespmem:$0x140];
	v16 =	vmul.f32 v62, v61;
	v50 =	vmul.f32 v63, v2  }
0x51: {  	v18 =	vmul.f32 v33, v63;
	v52 =	vmul.f32 v35, v2  }
0x52: {  	v19 =	vmul.f32 v37, v35;
	v55 =	vmul.f32 v28, v39  }
0x53: {  	v59 =	vmul.f32 v41, v29;
	v61 =	vmul.f32 v39, v2  }
0x54: {  	v29 =	vmul.f32 v29, v2;
	v35 =	vmul.f32 v44, v43  }
0x55: {  	v37 =	vmul.f32 v45, v2;
	v44 =	vmul.f32 v49, v2  }
0x56: {  	v20 =	vadd.f32 v20, v0;
	v3 =	vmul.f32 v3, v1;
	v5 =	vmul.f32 v5, v1  }
0x57: {  	v21 =	vadd.f32 v21, v0;
	v7 =	vmul.f32 v7, v1;
	v9 =	vmul.f32 v9, v1  }
0x58: {  	v12 =	vmul.f32 v12, v1;
	v14 =	vmul.f32 v14, v1;
	v11 =	vadd.f32 v11, v0  }
0x59: {  	v13 =	vadd.f32 v13, v0;
	v32 =	vadd.f32 v26, v0;
	v15 =	vmul.f32 v15, v1  }
0x5a: {  	v34 =	vadd.f32 v27, v0;
	v17 =	vmul.f32 v17, v1;
	v10 =	vadd.f32 v10, v0  }
0x5b: {  	v4 =	vmul.f32 v4, v1;
	v46 =	vadd.f32 v30, v0;
	v48 =	vadd.f32 v31, v0  }
0x5c: {  	v60 =	vld [tilespmem:$0x2C0];
	v6 =	vmul.f32 v6, v1;
	v54 =	vadd.f32 v50, v0;
	v57 =	vadd.f32 v52, v0  }
0x5d: {  	v47 =	vld [tilespmem:$0x330];
	v8 =	vmul.f32 v8, v1;
	v3 =	vadd.f32 v3, v20;
	v5 =	vadd.f32 v5, v21  }
0x5e: {  	v51 =	vld [tilespmem:$0x340];
	v42 =	vmul.f32 v24, v1;
	v20 =	vadd.f32 v56, v0;
	v21 =	vadd.f32 v58, v0  }
0x5f: {  	v53 =	vld [tilespmem:$0x150];
	v16 =	vmul.f32 v16, v1;
	v11 =	vadd.f32 v12, v11;
	v13 =	vadd.f32 v14, v13  }
0x60: {  	v63 =	vld [tilespmem:$0x360];
	v18 =	vmul.f32 v18, v1;
	v12 =	vadd.f32 v15, v32;
	v14 =	vadd.f32 v17, v34  }
0x61: {  	v33 =	vld [tilespmem:$0x170];
	v62 =	vmul.f32 v55, v1;
	v15 =	vadd.f32 v36, v0;
	v17 =	vadd.f32 v38, v0  }
0x62: {  	v39 =	vmul.f32 v35, v1;
	v50 =	vld [tilespmem:$0x1A0];
	v10 =	vadd.f32 v42, v10;
	v16 =	vadd.f32 v16, v48;
	[tilespmem:$0x400] =	vst v3  }
0x63: {  	v27 =	vld [tilespmem:$0x3C0];
	v58 =	vmul.f32 v19, v1;
	v32 =	vmul.f32 v59, v1;
	v7 =	vadd.f32 v7, v20;
	[tilespmem:$0x410] =	vst v5  }
0x64: {  	v30 =	vld [tilespmem:$0x1D0];
	v34 =	vmul.f32 v43, v2;
	v9 =	vadd.f32 v9, v21;
	v4 =	vadd.f32 v4, v15;
	[tilespmem:$0x440] =	vst v11  }
0x65: {  	v56 =	vld [tilespmem:$0x350];
	v48 =	vmul.f32 v53, v2;
	v6 =	vadd.f32 v6, v17;
	v15 =	vadd.f32 v40, v0;
	[tilespmem:$0x450] =	vst v13  }
0x66: {  	v36 =	vld [tilespmem:$0x370];
	v20 =	vmul.f32 v60, v25;
	v3 =	vadd.f32 v18, v54;
	v5 =	vadd.f32 v58, v57;
	[tilespmem:$0x460] =	vst v12  }
0x67: {  	v38 =	vld [tilespmem:$0x180];
	v21 =	vmul.f32 v47, v45;
	v11 =	vadd.f32 v34, v0;
	[tilespmem:$0x470] =	vst v14;
	v13 =	vadd.f32 v37, v0  }
0x68: {  	v42 =	vld [tilespmem:$0x190];
	v45 =	vmul.f32 v51, v49;
	v51 =	vadd.f32 v44, v0;
	[tilespmem:$0x4B0] =	vst v10;
	v55 =	vadd.f32 v48, v0  }
0x69: {  	v60 =	vld [tilespmem:$0x160];
	v8 =	vadd.f32 v8, v15;
	v20 =	vmul.f32 v20, v1;
	[tilespmem:$0x420] =	vst v7;
	v7 =	vadd.f32 v61, v0  }
0x6a: {  	v40 =	vld [tilespmem:$0x380];
	[tilespmem:$0x430] =	vst v9;
	v9 =	vadd.f32 v29, v0;
	v41 =	vmul.f32 v21, v1;
	v52 =	vmul.f32 v45, v1  }
0x6b: {  	v54 =	vld [tilespmem:$0x3A0];
	[tilespmem:$0x4D0] =	vst v16;
	v43 =	vadd.f32 v39, v11;
	v61 =	vmul.f32 v33, v2;
	v49 =	vmul.f32 v56, v53  }
0x6c: {  	v58 =	vld [tilespmem:$0x1B0];
	[tilespmem:$0x480] =	vst v4;
	v57 =	vmul.f32 v36, v33;
	v26 =	vmul.f32 v38, v2;
	v15 =	vadd.f32 v20, v46  }
0x6d: {  	v44 =	vld [tilespmem:$0x1F0];
	[tilespmem:$0x490] =	vst v6;
	v29 =	vmul.f32 v42, v2;
	v7 =	vadd.f32 v62, v7;
	v9 =	vadd.f32 v32, v9  }
0x6e: {  	v33 =	vld [tilespmem:$0x3D0];
	v47 =	vadd.f32 v41, v13;
	[tilespmem:$0x4A0] =	vst v8;
	v8 =	vadd.f32 v52, v51;
	v53 =	vmul.f32 v63, v60  }
0x6f: {  	[tilespmem:$0x4E0] =	vst v3;
	v36 =	vld [tilespmem:$0x1E0];
	v28 =	vadd.f32 v61, v0;
	v56 =	vmul.f32 v49, v1;
	v59 =	vmul.f32 v60, v2  }
0x70: {  	[tilespmem:$0x4F0] =	vst v5;
	v46 =	vld [tilespmem:$0x390];
	v14 =	vmul.f32 v57, v1;
	v18 =	vmul.f32 v40, v38;
	v31 =	vadd.f32 v26, v0  }
0x71: {  	v62 =	vld [tilespmem:$0x1C0];
	[tilespmem:$0x520] =	vst v43;
	v34 =	vadd.f32 v29, v0;
	v38 =	vmul.f32 v50, v2;
	v39 =	vmul.f32 v54, v50  }
0x72: {  	v60 =	vld [tilespmem:$0x3B0];
	v54 =	vmul.f32 v30, v2;
	[tilespmem:$0x4C0] =	vst v15;
	v12 =	vmul.f32 v53, v1;
	v10 =	vadd.f32 v56, v55  }
0x73: {  	v40 =	vld [tilespmem:$0x3E0];
	[tilespmem:$0x500] =	vst v7;
	v63 =	vadd.f32 v59, v0;
	v32 =	vmul.f32 v18, v1;
	v45 =	vmul.f32 v39, v1  }
0x74: {  	[tilespmem:$0x510] =	vst v9;
	v5 =	vadd.f32 v14, v28;
	v52 =	vmul.f32 v33, v30;
	v57 =	vmul.f32 v36, v2  }
0x75: {  	[tilespmem:$0x530] =	vst v47;
	v7 =	vadd.f32 v38, v0;
	v17 =	vmul.f32 v46, v42;
	v42 =	vmul.f32 v58, v2  }
0x76: {  	[tilespmem:$0x540] =	vst v8;
	v47 =	vld [tilespmem:$0x3F0];
	v3 =	vadd.f32 v12, v63;
	v46 =	vmul.f32 v27, v62;
	v49 =	vmul.f32 v62, v2  }
0x77: {  	v37 =	vadd.f32 v32, v31;
	[tilespmem:$0x550] =	vst v10;
	v2 =	vmul.f32 v44, v2;
	v43 =	vmul.f32 v60, v58  }
0x78: {  	v50 =	vadd.f32 v45, v7;
	[tilespmem:$0x570] =	vst v5;
	v55 =	vmul.f32 v40, v36;
	v35 =	vmul.f32 v17, v1  }
0x79: {  	v60 =	vadd.f32 v57, v0;
	[tilespmem:$0x560] =	vst v3;
	v51 =	vmul.f32 v46, v1;
	v56 =	vadd.f32 v49, v0  }
0x7a: {  	v9 =	vadd.f32 v42, v0;
	[tilespmem:$0x580] =	vst v37;
	v48 =	vmul.f32 v43, v1;
	v41 =	vadd.f32 v35, v34  }
0x7b: {  	v58 =	vmul.f32 v47, v44;
	[tilespmem:$0x5A0] =	vst v50;
	v61 =	vmul.f32 v55, v1;
	v59 =	vadd.f32 v51, v56  }
0x7c: {  	v8 =	vmul.f32 v52, v1;
	v53 =	vadd.f32 v48, v9;
	v9 =	vadd.f32 v54, v0;
	[tilespmem:$0x590] =	vst v41  }
0x7d: {  	v1 =	vmul.f32 v58, v1;
	v0 =	vadd.f32 v2, v0;
	v63 =	vadd.f32 v61, v60;
	[tilespmem:$0x5C0] =	vst v59  }
0x7e: {  	[tilespmem:$0x5B0] =	vst v53;
	v62 =	vadd.f32 v8, v9  }
0x7f: {  	v0 =	vadd.f32 v1, v0;
	[tilespmem:$0x5E0] =	vst v63  }
0x80: {  	p0 =	sne.s32 s9, $0x1;
	[tilespmem:$0x5D0] =	vst v62  }
.Ltmp0:
0x81: {  	[tilespmem:$0x5F0] =	vst v0;
	(pc) =	sbr.rel @p0 .LBB2_1-.Ltmp0, $4  }
0x82: {  	[hbm4b:s8+s5] =	stream.linear.scatter [tilespmem:s17], [sflag:$0x4], $0x200, $0x38;
	[tilespmem:$0x780] =	vst v63  }
0x83: {  	_ =	swait.ge [sflag:s18], $0x200  }
0x84: {  	[sflag:s18] =	ssyncset.done $0x0  }
0x85: {  	s9 =	sadd.s32 $0xFFFFFFFF, s9;
	[sflag:s18] =	ssyncadd.s32 $0xFFFFFE00  }
0x86: {  	_ =	sfence.sel $0x180000  }
0x87: {  	[bflag:$0x0] =	sbarrier.arrive $0xFFFF  }
0x88: {  	p0 =	sne.s32 s4, $0x0;
	_ =	strace $0x90000047  }
0x89: {  	s0 =	sadd.s32 @!p0 $0x100000, s0;
	[bflag:$0x2] =	sbarrier.arrive $0xFFFF  }
0x8a: {  	[sflag:s0] =	ssyncadd.tile.s32 @!p0 $0x1;
	_ =	shalt  }
.Lfunc_end2:
_tile_overlayer_lowered:
.L_overlay_start_2:
0x8b: {  	(tag) =	ssettag $0x2  }
0x8c: {  	s0 =	rddreg [dreg:$0x0];
	s2 =	stileid.u32  }
0x8d: {  	s1 =	rddreg [dreg:$0x1];
	p0 =	sne.s32 s2, $0x0  }
0x8e: {  	s3 =	rddreg [dreg:$0x2];
	[bflag:$0x3] =	sbarrier.arrive $0xFFFF;
	s2 =	simm.s32 @!p0 $0x1C04  }
0x8f: {  	[timem:s3], [sflag:s2] =	dma.local @!p0 [hbm:s0], s1  }
0x90: {  	s0 =	simm.s32 @!p0 $0x4  }
0x91: {  	_ =	swait.ge @!p0 [sflag:s0], s1  }
0x92: {  	s1 =	ssub.s32 @!p0 $0x0, s1;
	[sflag:s0] =	ssyncset.done @!p0 $0x0  }
0x93: {  	[sflag:s0] =	ssyncadd.s32 @!p0 s1  }
0x94: {  	[bflag:$0x3] =	sbarrier.arrive $0xFFFF  }
0x95: {  	_ =	shalt  }

</sc_bundles>
